<compile_context>
chip_gen: v7x
topology: tpu7x:2x2x1
jax: 0.10.2.dev20260603
libtpu: 0.0.44.dev20260713+nightly
codegen_flags: <defaults>
</compile_context>

<pallas_src>
import functools

import jax
import jax.numpy as jnp
from jax import lax
from jax.experimental import pallas as pl
from jax.experimental.pallas import tpu as pltpu
from jax.experimental.pallas import tpu_sc as plsc

NROWS = 16384
NF = 26
CARD = 100
D = NF * CARD
NC, NS, L = 2, 16, 16
NW = NC * NS
ROWS_PER_W = NROWS // NW
PIECE_R = 128
PIECE_C = 2 * CARD
NBANDS = NF // 2
RVEC = PIECE_R // L
NBUF = 2


def _sc_body(xt_hbm, out_hbm, xall, buf0, buf1, sem0, sem1):
    wid = lax.axis_index("s") * NC + lax.axis_index("c")
    row_base = wid * ROWS_PER_W

    ones = jnp.ones((L,), jnp.float32)
    zeros = jnp.zeros((L,), jnp.float32)
    iota = lax.iota(jnp.int32, L)

    bufs = (buf0, buf1)
    sems = (sem0, sem1)

    xcp = pltpu.async_copy(
        xt_hbm.at[:, pl.ds(row_base, ROWS_PER_W)], xall, sem0)

    def zero(buf):
        def zbody(r, c):
            for i in range(PIECE_R // L):
                buf[r, pl.ds(i * L, L)] = zeros
            return c

        lax.fori_loop(0, PIECE_C, zbody, 0)

    zero(bufs[0])
    xcp.wait()

    NRP = ROWS_PER_W // PIECE_R
    NP = NBANDS * NRP

    def scat(buf, m, val):
        band = m // NRP
        rpart = m % NRP

        def sbody(i, c):
            for dd in range(2):
                f = band * 2 + dd
                codes = xall[f, pl.ds(rpart * PIECE_R + i * L, L)]
                plsc.store_scatter(
                    buf, [codes + dd * CARD, iota + i * L], val)
            return c

        lax.fori_loop(0, RVEC, sbody, 0)

    def piece_dma(buf, m, sem):
        band = m // NRP
        rpart = m % NRP
        pltpu.async_copy(
            buf,
            out_hbm.at[pl.ds(band * PIECE_C, PIECE_C),
                       pl.ds(row_base + rpart * PIECE_R, PIECE_R)],
            sem)

    scat(bufs[0], 0, ones)
    piece_dma(bufs[0], 0, sems[0])
    for b in range(1, NBUF):
        zero(bufs[b])
        scat(bufs[b], b, ones)
        piece_dma(bufs[b], b, sems[b])

    def super_body(k, c):
        for b in range(NBUF):
            m = k * NBUF + b
            buf, sem = bufs[b], sems[b]
            pltpu.make_async_copy(
                buf, out_hbm.at[pl.ds(0, PIECE_C), pl.ds(0, PIECE_R)],
                sem).wait()
            scat(buf, m - NBUF, zeros)
            scat(buf, m, ones)
            piece_dma(buf, m, sem)
        return c

    lax.fori_loop(1, NP // NBUF, super_body, 0)
    for b in range(NBUF):
        pltpu.make_async_copy(
            bufs[b], out_hbm.at[pl.ds(0, PIECE_C), pl.ds(0, PIECE_R)],
            sems[b]).wait()


@functools.partial(jax.jit, donate_argnums=())
def _onehot_t(xt):
    mesh = plsc.VectorSubcoreMesh(
        core_axis_name="c", subcore_axis_name="s", num_cores=NC,
        num_subcores=NS)
    f = pl.kernel(
        _sc_body,
        out_type=jax.ShapeDtypeStruct((D, NROWS), jnp.float32),
        mesh=mesh,
        scratch_types=[
            pltpu.VMEM((NF, ROWS_PER_W), jnp.int32),
            pltpu.VMEM((PIECE_C, PIECE_R), jnp.float32),
            pltpu.VMEM((PIECE_C, PIECE_R), jnp.float32),
            pltpu.SemaphoreType.DMA,
            pltpu.SemaphoreType.DMA,
        ],
        compiler_params=pltpu.CompilerParams(needs_layout_passes=False),
    )
    return f(xt)


def kernel(x):
    return _onehot_t(x.T).T

# --- scband reference (transcript-rebuilt; emitter-appended) ---
"""Pipeline reference for scband-one-hot-encoding0d-11012296147774 (READ-ONLY COPY).

The authoritative reference and input builder live on the scoring server;
editing this copy changes nothing except your own understanding.
"""

import jax, jax.numpy as jnp
import numpy as np

CARDINALITIES = [100] * 26


def setup_inputs(seed: int = 0) -> dict:
    key = jax.random.key(seed)
    # integer categorical codes in [0, 100) for each of 26 fields
    x = jax.random.randint(key, (16384, 26), 0, 100, dtype=jnp.int32)
    return {"x": x}


def reference(x) -> jnp.ndarray:
    # Faithful translation of OneHotEncoding0d.forward:
    #   torch.cat([one_hot(x[..., i], c + 1)[..., :-1] for i, c in enumerate(cards)], -1)
    # Each field is one-hot encoded with (cardinality + 1) classes and the last
    # column is dropped, so a code equal to `cardinality` maps to all-zeros.
    # torch.nn.functional.one_hot returns int64; we emit float32 (same 0/1 values).
    parts = []
    for i, c in enumerate(CARDINALITIES):
        oh = jax.nn.one_hot(x[..., i], c + 1, dtype=jnp.float32)[..., :-1]
        parts.append(oh)
    return jnp.concatenate(parts, axis=-1)

if __name__ == "__main__":
    import jax
    _d = setup_inputs()
    print(jax.jit(kernel)(*tuple(_d.values())))

</pallas_src>

<mosaic_0001>
#map = affine_map<(d0, d1) -> (0, 0)>
module attributes {stable_mosaic.version = 14 : i64} {
  func.func @_sc_body(%arg0: i32, %arg1: i32, %arg2: memref<26x16384xi32, #tpu.memory_space<hbm>>, %arg3: memref<2600x16384xf32, #tpu.memory_space<hbm>>, %arg4: memref<26x512xi32, #tpu.memory_space<vmem>>, %arg5: memref<200x128xf32, #tpu.memory_space<vmem>>, %arg6: memref<200x128xf32, #tpu.memory_space<vmem>>, %arg7: memref<!tpu.dma_semaphore, #tpu.memory_space<semaphore_mem>>, %arg8: memref<!tpu.dma_semaphore, #tpu.memory_space<semaphore_mem>>) attributes {dimension_semantics = [#tpu.dimension_semantics<core_parallel>, #tpu.dimension_semantics<subcore_parallel>], iteration_bounds = array<i64: 2, 16>, scalar_prefetch = 0 : i64, scratch_operands = 5 : i64, tpu.core_type = #tpu.core_type<sc_vector_subcore>, window_params = [{transform_indices = #map}, {transform_indices = #map}]} {
    %mul3A = arith.constant 2 : i32
    %mul3A_0 = arith.muli %arg1, %mul3A : i32
    %add3A = arith.addi %mul3A_0, %arg0 : i32
    %mul3A_1 = arith.constant 512 : i32
    %mul3A_2 = arith.muli %add3A, %mul3A_1 : i32
    %broadcast_in_dim3A = arith.constant 1.000000e+00 : f32
    %broadcast_in_dim3A_3 = vector.broadcast %broadcast_in_dim3A : f32 to vector<16xf32>
    %broadcast_in_dim3A_4 = arith.constant 0.000000e+00 : f32
    %broadcast_in_dim3A_5 = vector.broadcast %broadcast_in_dim3A_4 : f32 to vector<16xf32>
    %iota3A = tpu.iota {dimensions = array<i32: 0>} : vector<16xi32>
    %dma_start3A = arith.constant 0 : i32
    %dma_start3A_6 = tpu.memref_slice %arg2[%dma_start3A, %mul3A_2] : memref<26x16384xi32, #tpu.memory_space<hbm>> -> memref<26x512xi32, #tpu.memory_space<hbm>>
    %dma_start3A_7 = arith.constant 0 : i32
    %dma_start3A_8 = tpu.memref_slice %arg2[%dma_start3A_7, %mul3A_2] : memref<26x16384xi32, #tpu.memory_space<hbm>> -> memref<26x512xi32, #tpu.memory_space<hbm>>
    tpu.enqueue_dma source(%dma_start3A_8 : memref<26x512xi32, #tpu.memory_space<hbm>>) target(%arg4 : memref<26x512xi32, #tpu.memory_space<vmem>>) target_semaphore(%arg7 : memref<!tpu.dma_semaphore, #tpu.memory_space<semaphore_mem>>)
    %scan3A = arith.constant 0 : i32
    %scan3A_9 = arith.constant 0 : i32
    %scan3A_10 = arith.constant 200 : i32
    %scan3A_11 = arith.addi %scan3A_9, %scan3A_10 : i32
    %scan3A_12 = arith.constant 1 : i32
    scf.for %scan3A_65 = %scan3A_9 to %scan3A_11 step %scan3A_12  : i32 {
      %swap3A = arith.index_cast %scan3A_65 : i32 to index
      %swap3A_66 = arith.constant 0 : index
      %swap3A_67 = tpu.vector_load %arg5[%swap3A, %swap3A_66] {strides = array<i32>} : memref<200x128xf32, #tpu.memory_space<vmem>>, vector<16xf32>,
      tpu.vector_store %arg5[%swap3A, %swap3A_66], %broadcast_in_dim3A_5 {strides = array<i32>} : memref<200x128xf32, #tpu.memory_space<vmem>>, vector<16xf32>,
      %swap3A_68 = arith.index_cast %scan3A_65 : i32 to index
      %swap3A_69 = arith.constant 16 : index
      %swap3A_70 = tpu.vector_load %arg5[%swap3A_68, %swap3A_69] {strides = array<i32>} : memref<200x128xf32, #tpu.memory_space<vmem>>, vector<16xf32>,
      tpu.vector_store %arg5[%swap3A_68, %swap3A_69], %broadcast_in_dim3A_5 {strides = array<i32>} : memref<200x128xf32, #tpu.memory_space<vmem>>, vector<16xf32>,
      %swap3A_71 = arith.index_cast %scan3A_65 : i32 to index
      %swap3A_72 = arith.constant 32 : index
      %swap3A_73 = tpu.vector_load %arg5[%swap3A_71, %swap3A_72] {strides = array<i32>} : memref<200x128xf32, #tpu.memory_space<vmem>>, vector<16xf32>,
      tpu.vector_store %arg5[%swap3A_71, %swap3A_72], %broadcast_in_dim3A_5 {strides = array<i32>} : memref<200x128xf32, #tpu.memory_space<vmem>>, vector<16xf32>,
      %swap3A_74 = arith.index_cast %scan3A_65 : i32 to index
      %swap3A_75 = arith.constant 48 : index
      %swap3A_76 = tpu.vector_load %arg5[%swap3A_74, %swap3A_75] {strides = array<i32>} : memref<200x128xf32, #tpu.memory_space<vmem>>, vector<16xf32>,
      tpu.vector_store %arg5[%swap3A_74, %swap3A_75], %broadcast_in_dim3A_5 {strides = array<i32>} : memref<200x128xf32, #tpu.memory_space<vmem>>, vector<16xf32>,
      %swap3A_77 = arith.index_cast %scan3A_65 : i32 to index
      %swap3A_78 = arith.constant 64 : index
      %swap3A_79 = tpu.vector_load %arg5[%swap3A_77, %swap3A_78] {strides = array<i32>} : memref<200x128xf32, #tpu.memory_space<vmem>>, vector<16xf32>,
      tpu.vector_store %arg5[%swap3A_77, %swap3A_78], %broadcast_in_dim3A_5 {strides = array<i32>} : memref<200x128xf32, #tpu.memory_space<vmem>>, vector<16xf32>,
      %swap3A_80 = arith.index_cast %scan3A_65 : i32 to index
      %swap3A_81 = arith.constant 80 : index
      %swap3A_82 = tpu.vector_load %arg5[%swap3A_80, %swap3A_81] {strides = array<i32>} : memref<200x128xf32, #tpu.memory_space<vmem>>, vector<16xf32>,
      tpu.vector_store %arg5[%swap3A_80, %swap3A_81], %broadcast_in_dim3A_5 {strides = array<i32>} : memref<200x128xf32, #tpu.memory_space<vmem>>, vector<16xf32>,
      %swap3A_83 = arith.index_cast %scan3A_65 : i32 to index
      %swap3A_84 = arith.constant 96 : index
      %swap3A_85 = tpu.vector_load %arg5[%swap3A_83, %swap3A_84] {strides = array<i32>} : memref<200x128xf32, #tpu.memory_space<vmem>>, vector<16xf32>,
      tpu.vector_store %arg5[%swap3A_83, %swap3A_84], %broadcast_in_dim3A_5 {strides = array<i32>} : memref<200x128xf32, #tpu.memory_space<vmem>>, vector<16xf32>,
      %swap3A_86 = arith.index_cast %scan3A_65 : i32 to index
      %swap3A_87 = arith.constant 112 : index
      %swap3A_88 = tpu.vector_load %arg5[%swap3A_86, %swap3A_87] {strides = array<i32>} : memref<200x128xf32, #tpu.memory_space<vmem>>, vector<16xf32>,
      tpu.vector_store %arg5[%swap3A_86, %swap3A_87], %broadcast_in_dim3A_5 {strides = array<i32>} : memref<200x128xf32, #tpu.memory_space<vmem>>, vector<16xf32>,
    }
    %scan3A_13 = arith.constant 200 : i32
    %dma_wait3A = arith.constant 0 : i32
    %dma_wait3A_14 = tpu.memref_slice %arg2[%dma_wait3A, %mul3A_2] : memref<26x16384xi32, #tpu.memory_space<hbm>> -> memref<26x512xi32, #tpu.memory_space<hbm>>
    %dma_wait3A_15 = arith.constant 0 : i32
    %dma_wait3A_16 = tpu.memref_slice %arg2[%dma_wait3A_15, %mul3A_2] : memref<26x16384xi32, #tpu.memory_space<hbm>> -> memref<26x512xi32, #tpu.memory_space<hbm>>
    tpu.wait_dma2 semaphore(%arg7 : memref<!tpu.dma_semaphore, #tpu.memory_space<semaphore_mem>>) src(%dma_wait3A_16 : memref<26x512xi32, #tpu.memory_space<hbm>>) dst(%arg4 : memref<26x512xi32, #tpu.memory_space<vmem>>)
    %scan3A_17 = arith.constant 0 : i32
    %scan3A_18 = arith.constant 0 : i32
    %scan3A_19 = arith.constant 8 : i32
    %scan3A_20 = arith.addi %scan3A_18, %scan3A_19 : i32
    %scan3A_21 = arith.constant 1 : i32
    scf.for %scan3A_65 = %scan3A_18 to %scan3A_20 step %scan3A_21  : i32 {
      %mul3A_66 = arith.constant 16 : i32
      %mul3A_67 = arith.muli %scan3A_65, %mul3A_66 : i32
      %add3A_68 = arith.constant 0 : i32
      %add3A_69 = arith.addi %add3A_68, %mul3A_67 : i32
      %get3A = arith.constant 0 : i32
      %get3A_70 = arith.index_cast %get3A : i32 to index
      %get3A_71 = arith.index_cast %add3A_69 : i32 to index
      %get3A_72 = tpu.vector_load %arg4[%get3A_70, %get3A_71] {strides = array<i32>} : memref<26x512xi32, #tpu.memory_space<vmem>>, vector<16xi32>,
      %add3A_73 = arith.constant 0 : i32
      %add3A_74 = vector.broadcast %add3A_73 : i32 to vector<16xi32>
      %add3A_75 = arith.addi %get3A_72, %add3A_74 : vector<16xi32>
      %mul3A_76 = arith.constant 16 : i32
      %mul3A_77 = arith.muli %scan3A_65, %mul3A_76 : i32
      %add3A_78 = vector.broadcast %mul3A_77 : i32 to vector<16xi32>
      %add3A_79 = arith.addi %iota3A, %add3A_78 : vector<16xi32>
      tpu.vector_store_idx %arg5[%add3A_75, %add3A_79], %broadcast_in_dim3A_3 : memref<200x128xf32, #tpu.memory_space<vmem>>[vector<16xi32>, vector<16xi32>], vector<16xf32>,
      %mul3A_80 = arith.constant 16 : i32
      %mul3A_81 = arith.muli %scan3A_65, %mul3A_80 : i32
      %add3A_82 = arith.constant 0 : i32
      %add3A_83 = arith.addi %add3A_82, %mul3A_81 : i32
      %get3A_84 = arith.constant 1 : i32
      %get3A_85 = arith.index_cast %get3A_84 : i32 to index
      %get3A_86 = arith.index_cast %add3A_83 : i32 to index
      %get3A_87 = tpu.vector_load %arg4[%get3A_85, %get3A_86] {strides = array<i32>} : memref<26x512xi32, #tpu.memory_space<vmem>>, vector<16xi32>,
      %add3A_88 = arith.constant 100 : i32
      %add3A_89 = vector.broadcast %add3A_88 : i32 to vector<16xi32>
      %add3A_90 = arith.addi %get3A_87, %add3A_89 : vector<16xi32>
      %mul3A_91 = arith.constant 16 : i32
      %mul3A_92 = arith.muli %scan3A_65, %mul3A_91 : i32
      %add3A_93 = vector.broadcast %mul3A_92 : i32 to vector<16xi32>
      %add3A_94 = arith.addi %iota3A, %add3A_93 : vector<16xi32>
      tpu.vector_store_idx %arg5[%add3A_90, %add3A_94], %broadcast_in_dim3A_3 : memref<200x128xf32, #tpu.memory_space<vmem>>[vector<16xi32>, vector<16xi32>], vector<16xf32>,
    }
    %scan3A_22 = arith.constant 8 : i32
    %add3A_23 = arith.constant 0 : i32
    %add3A_24 = arith.addi %mul3A_2, %add3A_23 : i32
    %dma_start3A_25 = arith.constant 0 : i32
    %dma_start3A_26 = tpu.memref_slice %arg3[%dma_start3A_25, %add3A_24] : memref<2600x16384xf32, #tpu.memory_space<hbm>> -> memref<200x128xf32, #tpu.memory_space<hbm>>
    %dma_start3A_27 = arith.constant 0 : i32
    %dma_start3A_28 = tpu.memref_slice %arg3[%dma_start3A_27, %add3A_24] : memref<2600x16384xf32, #tpu.memory_space<hbm>> -> memref<200x128xf32, #tpu.memory_space<hbm>>
    tpu.enqueue_dma source(%arg5 : memref<200x128xf32, #tpu.memory_space<vmem>>) target(%dma_start3A_28 : memref<200x128xf32, #tpu.memory_space<hbm>>) target_semaphore(%arg7 : memref<!tpu.dma_semaphore, #tpu.memory_space<semaphore_mem>>)
    %scan3A_29 = arith.constant 0 : i32
    %scan3A_30 = arith.constant 0 : i32
    %scan3A_31 = arith.constant 200 : i32
    %scan3A_32 = arith.addi %scan3A_30, %scan3A_31 : i32
    %scan3A_33 = arith.constant 1 : i32
    scf.for %scan3A_65 = %scan3A_30 to %scan3A_32 step %scan3A_33  : i32 {
      %swap3A = arith.index_cast %scan3A_65 : i32 to index
      %swap3A_66 = arith.constant 0 : index
      %swap3A_67 = tpu.vector_load %arg6[%swap3A, %swap3A_66] {strides = array<i32>} : memref<200x128xf32, #tpu.memory_space<vmem>>, vector<16xf32>,
      tpu.vector_store %arg6[%swap3A, %swap3A_66], %broadcast_in_dim3A_5 {strides = array<i32>} : memref<200x128xf32, #tpu.memory_space<vmem>>, vector<16xf32>,
      %swap3A_68 = arith.index_cast %scan3A_65 : i32 to index
      %swap3A_69 = arith.constant 16 : index
      %swap3A_70 = tpu.vector_load %arg6[%swap3A_68, %swap3A_69] {strides = array<i32>} : memref<200x128xf32, #tpu.memory_space<vmem>>, vector<16xf32>,
      tpu.vector_store %arg6[%swap3A_68, %swap3A_69], %broadcast_in_dim3A_5 {strides = array<i32>} : memref<200x128xf32, #tpu.memory_space<vmem>>, vector<16xf32>,
      %swap3A_71 = arith.index_cast %scan3A_65 : i32 to index
      %swap3A_72 = arith.constant 32 : index
      %swap3A_73 = tpu.vector_load %arg6[%swap3A_71, %swap3A_72] {strides = array<i32>} : memref<200x128xf32, #tpu.memory_space<vmem>>, vector<16xf32>,
      tpu.vector_store %arg6[%swap3A_71, %swap3A_72], %broadcast_in_dim3A_5 {strides = array<i32>} : memref<200x128xf32, #tpu.memory_space<vmem>>, vector<16xf32>,
      %swap3A_74 = arith.index_cast %scan3A_65 : i32 to index
      %swap3A_75 = arith.constant 48 : index
      %swap3A_76 = tpu.vector_load %arg6[%swap3A_74, %swap3A_75] {strides = array<i32>} : memref<200x128xf32, #tpu.memory_space<vmem>>, vector<16xf32>,
      tpu.vector_store %arg6[%swap3A_74, %swap3A_75], %broadcast_in_dim3A_5 {strides = array<i32>} : memref<200x128xf32, #tpu.memory_space<vmem>>, vector<16xf32>,
      %swap3A_77 = arith.index_cast %scan3A_65 : i32 to index
      %swap3A_78 = arith.constant 64 : index
      %swap3A_79 = tpu.vector_load %arg6[%swap3A_77, %swap3A_78] {strides = array<i32>} : memref<200x128xf32, #tpu.memory_space<vmem>>, vector<16xf32>,
      tpu.vector_store %arg6[%swap3A_77, %swap3A_78], %broadcast_in_dim3A_5 {strides = array<i32>} : memref<200x128xf32, #tpu.memory_space<vmem>>, vector<16xf32>,
      %swap3A_80 = arith.index_cast %scan3A_65 : i32 to index
      %swap3A_81 = arith.constant 80 : index
      %swap3A_82 = tpu.vector_load %arg6[%swap3A_80, %swap3A_81] {strides = array<i32>} : memref<200x128xf32, #tpu.memory_space<vmem>>, vector<16xf32>,
      tpu.vector_store %arg6[%swap3A_80, %swap3A_81], %broadcast_in_dim3A_5 {strides = array<i32>} : memref<200x128xf32, #tpu.memory_space<vmem>>, vector<16xf32>,
      %swap3A_83 = arith.index_cast %scan3A_65 : i32 to index
      %swap3A_84 = arith.constant 96 : index
      %swap3A_85 = tpu.vector_load %arg6[%swap3A_83, %swap3A_84] {strides = array<i32>} : memref<200x128xf32, #tpu.memory_space<vmem>>, vector<16xf32>,
      tpu.vector_store %arg6[%swap3A_83, %swap3A_84], %broadcast_in_dim3A_5 {strides = array<i32>} : memref<200x128xf32, #tpu.memory_space<vmem>>, vector<16xf32>,
      %swap3A_86 = arith.index_cast %scan3A_65 : i32 to index
      %swap3A_87 = arith.constant 112 : index
      %swap3A_88 = tpu.vector_load %arg6[%swap3A_86, %swap3A_87] {strides = array<i32>} : memref<200x128xf32, #tpu.memory_space<vmem>>, vector<16xf32>,
      tpu.vector_store %arg6[%swap3A_86, %swap3A_87], %broadcast_in_dim3A_5 {strides = array<i32>} : memref<200x128xf32, #tpu.memory_space<vmem>>, vector<16xf32>,
    }
    %scan3A_34 = arith.constant 200 : i32
    %scan3A_35 = arith.constant 0 : i32
    %scan3A_36 = arith.constant 0 : i32
    %scan3A_37 = arith.constant 8 : i32
    %scan3A_38 = arith.addi %scan3A_36, %scan3A_37 : i32
    %scan3A_39 = arith.constant 1 : i32
    scf.for %scan3A_65 = %scan3A_36 to %scan3A_38 step %scan3A_39  : i32 {
      %mul3A_66 = arith.constant 16 : i32
      %mul3A_67 = arith.muli %scan3A_65, %mul3A_66 : i32
      %add3A_68 = arith.constant 128 : i32
      %add3A_69 = arith.addi %add3A_68, %mul3A_67 : i32
      %get3A = arith.constant 0 : i32
      %get3A_70 = arith.index_cast %get3A : i32 to index
      %get3A_71 = arith.index_cast %add3A_69 : i32 to index
      %get3A_72 = tpu.vector_load %arg4[%get3A_70, %get3A_71] {strides = array<i32>} : memref<26x512xi32, #tpu.memory_space<vmem>>, vector<16xi32>,
      %add3A_73 = arith.constant 0 : i32
      %add3A_74 = vector.broadcast %add3A_73 : i32 to vector<16xi32>
      %add3A_75 = arith.addi %get3A_72, %add3A_74 : vector<16xi32>
      %mul3A_76 = arith.constant 16 : i32
      %mul3A_77 = arith.muli %scan3A_65, %mul3A_76 : i32
      %add3A_78 = vector.broadcast %mul3A_77 : i32 to vector<16xi32>
      %add3A_79 = arith.addi %iota3A, %add3A_78 : vector<16xi32>
      tpu.vector_store_idx %arg6[%add3A_75, %add3A_79], %broadcast_in_dim3A_3 : memref<200x128xf32, #tpu.memory_space<vmem>>[vector<16xi32>, vector<16xi32>], vector<16xf32>,
      %mul3A_80 = arith.constant 16 : i32
      %mul3A_81 = arith.muli %scan3A_65, %mul3A_80 : i32
      %add3A_82 = arith.constant 128 : i32
      %add3A_83 = arith.addi %add3A_82, %mul3A_81 : i32
      %get3A_84 = arith.constant 1 : i32
      %get3A_85 = arith.index_cast %get3A_84 : i32 to index
      %get3A_86 = arith.index_cast %add3A_83 : i32 to index
      %get3A_87 = tpu.vector_load %arg4[%get3A_85, %get3A_86] {strides = array<i32>} : memref<26x512xi32, #tpu.memory_space<vmem>>, vector<16xi32>,
      %add3A_88 = arith.constant 100 : i32
      %add3A_89 = vector.broadcast %add3A_88 : i32 to vector<16xi32>
      %add3A_90 = arith.addi %get3A_87, %add3A_89 : vector<16xi32>
      %mul3A_91 = arith.constant 16 : i32
      %mul3A_92 = arith.muli %scan3A_65, %mul3A_91 : i32
      %add3A_93 = vector.broadcast %mul3A_92 : i32 to vector<16xi32>
      %add3A_94 = arith.addi %iota3A, %add3A_93 : vector<16xi32>
      tpu.vector_store_idx %arg6[%add3A_90, %add3A_94], %broadcast_in_dim3A_3 : memref<200x128xf32, #tpu.memory_space<vmem>>[vector<16xi32>, vector<16xi32>], vector<16xf32>,
    }
    %scan3A_40 = arith.constant 8 : i32
    %add3A_41 = arith.constant 128 : i32
    %add3A_42 = arith.addi %mul3A_2, %add3A_41 : i32
    %dma_start3A_43 = arith.constant 0 : i32
    %dma_start3A_44 = tpu.memref_slice %arg3[%dma_start3A_43, %add3A_42] : memref<2600x16384xf32, #tpu.memory_space<hbm>> -> memref<200x128xf32, #tpu.memory_space<hbm>>
    %dma_start3A_45 = arith.constant 0 : i32
    %dma_start3A_46 = tpu.memref_slice %arg3[%dma_start3A_45, %add3A_42] : memref<2600x16384xf32, #tpu.memory_space<hbm>> -> memref<200x128xf32, #tpu.memory_space<hbm>>
    tpu.enqueue_dma source(%arg6 : memref<200x128xf32, #tpu.memory_space<vmem>>) target(%dma_start3A_46 : memref<200x128xf32, #tpu.memory_space<hbm>>) target_semaphore(%arg8 : memref<!tpu.dma_semaphore, #tpu.memory_space<semaphore_mem>>)
    %scan3A_47 = arith.constant 0 : i32
    %scan3A_48 = arith.constant 1 : i32
    %scan3A_49 = arith.constant 25 : i32
    %scan3A_50 = arith.addi %scan3A_48, %scan3A_49 : i32
    %scan3A_51 = arith.constant 1 : i32
    scf.for %scan3A_65 = %scan3A_48 to %scan3A_50 step %scan3A_51  : i32 {
      %mul3A_66 = arith.constant 2 : i32
      %mul3A_67 = arith.muli %scan3A_65, %mul3A_66 : i32
      %add3A_68 = arith.constant 0 : i32
      %add3A_69 = arith.addi %mul3A_67, %add3A_68 : i32
      %dma_wait3A_70 = arith.constant 0 : i32
      %dma_wait3A_71 = arith.constant 0 : i32
      %dma_wait3A_72 = tpu.memref_slice %arg3[%dma_wait3A_70, %dma_wait3A_71] : memref<2600x16384xf32, #tpu.memory_space<hbm>> -> memref<200x128xf32, #tpu.memory_space<hbm>>
      %dma_wait3A_73 = arith.constant 0 : i32
      %dma_wait3A_74 = arith.constant 0 : i32
      %dma_wait3A_75 = tpu.memref_slice %arg3[%dma_wait3A_73, %dma_wait3A_74] : memref<2600x16384xf32, #tpu.memory_space<hbm>> -> memref<200x128xf32, #tpu.memory_space<hbm>>
      tpu.wait_dma2 semaphore(%arg7 : memref<!tpu.dma_semaphore, #tpu.memory_space<semaphore_mem>>) src(%arg5 : memref<200x128xf32, #tpu.memory_space<vmem>>) dst(%dma_wait3A_75 : memref<200x128xf32, #tpu.memory_space<hbm>>)
      %sub3A = arith.constant 2 : i32
      %sub3A_76 = arith.subi %add3A_69, %sub3A : i32
      %jit3A = arith.constant 4 : i32
      %div3A = arith.divsi %sub3A_76, %jit3A : i32
      %sign3A = arith.constant 0 : i32
      %sign3A_77 = arith.cmpi sgt, %sub3A_76, %sign3A : i32
      %sign3A_78 = arith.extui %sign3A_77 : i1 to i32
      %sign3A_79 = arith.constant 0 : i32
      %sign3A_80 = arith.cmpi slt, %sub3A_76, %sign3A_79 : i32
      %sign3A_81 = arith.extui %sign3A_80 : i1 to i32
      %sign3A_82 = arith.subi %sign3A_78, %sign3A_81 : i32
      %sign3A_83 = arith.constant 0 : i32
      %sign3A_84 = arith.cmpi sgt, %jit3A, %sign3A_83 : i32
      %sign3A_85 = arith.extui %sign3A_84 : i1 to i32
      %sign3A_86 = arith.constant 0 : i32
      %sign3A_87 = arith.cmpi slt, %jit3A, %sign3A_86 : i32
      %sign3A_88 = arith.extui %sign3A_87 : i1 to i32
      %sign3A_89 = arith.subi %sign3A_85, %sign3A_88 : i32
      %ne3A = arith.cmpi ne, %sign3A_82, %sign3A_89 : i32
      %rem3A = arith.remsi %sub3A_76, %jit3A : i32
      %ne3A_90 = arith.constant 0 : i32
      %ne3A_91 = arith.cmpi ne, %rem3A, %ne3A_90 : i32
      %and3A = arith.andi %ne3A, %ne3A_91 : i1
      %sub3A_92 = arith.constant 1 : i32
      %sub3A_93 = arith.subi %div3A, %sub3A_92 : i32
      %select_n3A = arith.select %and3A, %sub3A_93, %div3A : i32
      %jit3A_94 = arith.constant 4 : i32
      %eq3A = arith.constant 0 : i32
      %eq3A_95 = arith.cmpi eq, %jit3A_94, %eq3A : i32
      %jit3A_96 = arith.constant 1 : i32
      %select_n3A_97 = arith.select %eq3A_95, %jit3A_96, %jit3A_94 : i32
      %rem3A_98 = arith.remsi %sub3A_76, %select_n3A_97 : i32
      %ne3A_99 = arith.constant 0 : i32
      %ne3A_100 = arith.cmpi ne, %rem3A_98, %ne3A_99 : i32
      %lt3A = arith.constant 0 : i32
      %lt3A_101 = arith.cmpi slt, %rem3A_98, %lt3A : i32
      %lt3A_102 = arith.constant 0 : i32
      %lt3A_103 = arith.cmpi slt, %select_n3A_97, %lt3A_102 : i32
      %ne3A_104 = arith.xori %lt3A_101, %lt3A_103 : i1
      %and3A_105 = arith.andi %ne3A_104, %ne3A_100 : i1
      %add3A_106 = arith.addi %rem3A_98, %select_n3A_97 : i32
      %select_n3A_107 = arith.select %and3A_105, %add3A_106, %rem3A_98 : i32
      %scan3A_108 = arith.constant 0 : i32
      %scan3A_109 = arith.constant 0 : i32
      %scan3A_110 = arith.constant 8 : i32
      %scan3A_111 = arith.addi %scan3A_109, %scan3A_110 : i32
      %scan3A_112 = arith.constant 1 : i32
      scf.for %scan3A_358 = %scan3A_109 to %scan3A_111 step %scan3A_112  : i32 {
        %mul3A_359 = arith.constant 2 : i32
        %mul3A_360 = arith.muli %select_n3A, %mul3A_359 : i32
        %add3A_361 = arith.constant 0 : i32
        %add3A_362 = arith.addi %mul3A_360, %add3A_361 : i32
        %mul3A_363 = arith.constant 128 : i32
        %mul3A_364 = arith.muli %select_n3A_107, %mul3A_363 : i32
        %mul3A_365 = arith.constant 16 : i32
        %mul3A_366 = arith.muli %scan3A_358, %mul3A_365 : i32
        %add3A_367 = arith.addi %mul3A_364, %mul3A_366 : i32
        %get3A = arith.index_cast %add3A_362 : i32 to index
        %get3A_368 = arith.index_cast %add3A_367 : i32 to index
        %get3A_369 = tpu.vector_load %arg4[%get3A, %get3A_368] {strides = array<i32>} : memref<26x512xi32, #tpu.memory_space<vmem>>, vector<16xi32>,
        %add3A_370 = arith.constant 0 : i32
        %add3A_371 = vector.broadcast %add3A_370 : i32 to vector<16xi32>
        %add3A_372 = arith.addi %get3A_369, %add3A_371 : vector<16xi32>
        %mul3A_373 = arith.constant 16 : i32
        %mul3A_374 = arith.muli %scan3A_358, %mul3A_373 : i32
        %add3A_375 = vector.broadcast %mul3A_374 : i32 to vector<16xi32>
        %add3A_376 = arith.addi %iota3A, %add3A_375 : vector<16xi32>
        tpu.vector_store_idx %arg5[%add3A_372, %add3A_376], %broadcast_in_dim3A_5 : memref<200x128xf32, #tpu.memory_space<vmem>>[vector<16xi32>, vector<16xi32>], vector<16xf32>,
        %mul3A_377 = arith.constant 2 : i32
        %mul3A_378 = arith.muli %select_n3A, %mul3A_377 : i32
        %add3A_379 = arith.constant 1 : i32
        %add3A_380 = arith.addi %mul3A_378, %add3A_379 : i32
        %mul3A_381 = arith.constant 128 : i32
        %mul3A_382 = arith.muli %select_n3A_107, %mul3A_381 : i32
        %mul3A_383 = arith.constant 16 : i32
        %mul3A_384 = arith.muli %scan3A_358, %mul3A_383 : i32
        %add3A_385 = arith.addi %mul3A_382, %mul3A_384 : i32
        %get3A_386 = arith.index_cast %add3A_380 : i32 to index
        %get3A_387 = arith.index_cast %add3A_385 : i32 to index
        %get3A_388 = tpu.vector_load %arg4[%get3A_386, %get3A_387] {strides = array<i32>} : memref<26x512xi32, #tpu.memory_space<vmem>>, vector<16xi32>,
        %add3A_389 = arith.constant 100 : i32
        %add3A_390 = vector.broadcast %add3A_389 : i32 to vector<16xi32>
        %add3A_391 = arith.addi %get3A_388, %add3A_390 : vector<16xi32>
        %mul3A_392 = arith.constant 16 : i32
        %mul3A_393 = arith.muli %scan3A_358, %mul3A_392 : i32
        %add3A_394 = vector.broadcast %mul3A_393 : i32 to vector<16xi32>
        %add3A_395 = arith.addi %iota3A, %add3A_394 : vector<16xi32>
        tpu.vector_store_idx %arg5[%add3A_391, %add3A_395], %broadcast_in_dim3A_5 : memref<200x128xf32, #tpu.memory_space<vmem>>[vector<16xi32>, vector<16xi32>], vector<16xf32>,
      }
      %scan3A_113 = arith.constant 8 : i32
      %jit3A_114 = arith.constant 4 : i32
      %div3A_115 = arith.divsi %add3A_69, %jit3A_114 : i32
      %sign3A_116 = arith.constant 0 : i32
      %sign3A_117 = arith.cmpi sgt, %add3A_69, %sign3A_116 : i32
      %sign3A_118 = arith.extui %sign3A_117 : i1 to i32
      %sign3A_119 = arith.constant 0 : i32
      %sign3A_120 = arith.cmpi slt, %add3A_69, %sign3A_119 : i32
      %sign3A_121 = arith.extui %sign3A_120 : i1 to i32
      %sign3A_122 = arith.subi %sign3A_118, %sign3A_121 : i32
      %sign3A_123 = arith.constant 0 : i32
      %sign3A_124 = arith.cmpi sgt, %jit3A_114, %sign3A_123 : i32
      %sign3A_125 = arith.extui %sign3A_124 : i1 to i32
      %sign3A_126 = arith.constant 0 : i32
      %sign3A_127 = arith.cmpi slt, %jit3A_114, %sign3A_126 : i32
      %sign3A_128 = arith.extui %sign3A_127 : i1 to i32
      %sign3A_129 = arith.subi %sign3A_125, %sign3A_128 : i32
      %ne3A_130 = arith.cmpi ne, %sign3A_122, %sign3A_129 : i32
      %rem3A_131 = arith.remsi %add3A_69, %jit3A_114 : i32
      %ne3A_132 = arith.constant 0 : i32
      %ne3A_133 = arith.cmpi ne, %rem3A_131, %ne3A_132 : i32
      %and3A_134 = arith.andi %ne3A_130, %ne3A_133 : i1
      %sub3A_135 = arith.constant 1 : i32
      %sub3A_136 = arith.subi %div3A_115, %sub3A_135 : i32
      %select_n3A_137 = arith.select %and3A_134, %sub3A_136, %div3A_115 : i32
      %jit3A_138 = arith.constant 4 : i32
      %eq3A_139 = arith.constant 0 : i32
      %eq3A_140 = arith.cmpi eq, %jit3A_138, %eq3A_139 : i32
      %jit3A_141 = arith.constant 1 : i32
      %select_n3A_142 = arith.select %eq3A_140, %jit3A_141, %jit3A_138 : i32
      %rem3A_143 = arith.remsi %add3A_69, %select_n3A_142 : i32
      %ne3A_144 = arith.constant 0 : i32
      %ne3A_145 = arith.cmpi ne, %rem3A_143, %ne3A_144 : i32
      %lt3A_146 = arith.constant 0 : i32
      %lt3A_147 = arith.cmpi slt, %rem3A_143, %lt3A_146 : i32
      %lt3A_148 = arith.constant 0 : i32
      %lt3A_149 = arith.cmpi slt, %select_n3A_142, %lt3A_148 : i32
      %ne3A_150 = arith.xori %lt3A_147, %lt3A_149 : i1
      %and3A_151 = arith.andi %ne3A_150, %ne3A_145 : i1
      %add3A_152 = arith.addi %rem3A_143, %select_n3A_142 : i32
      %select_n3A_153 = arith.select %and3A_151, %add3A_152, %rem3A_143 : i32
      %scan3A_154 = arith.constant 0 : i32
      %scan3A_155 = arith.constant 0 : i32
      %scan3A_156 = arith.constant 8 : i32
      %scan3A_157 = arith.addi %scan3A_155, %scan3A_156 : i32
      %scan3A_158 = arith.constant 1 : i32
      scf.for %scan3A_358 = %scan3A_155 to %scan3A_157 step %scan3A_158  : i32 {
        %mul3A_359 = arith.constant 2 : i32
        %mul3A_360 = arith.muli %select_n3A_137, %mul3A_359 : i32
        %add3A_361 = arith.constant 0 : i32
        %add3A_362 = arith.addi %mul3A_360, %add3A_361 : i32
        %mul3A_363 = arith.constant 128 : i32
        %mul3A_364 = arith.muli %select_n3A_153, %mul3A_363 : i32
        %mul3A_365 = arith.constant 16 : i32
        %mul3A_366 = arith.muli %scan3A_358, %mul3A_365 : i32
        %add3A_367 = arith.addi %mul3A_364, %mul3A_366 : i32
        %get3A = arith.index_cast %add3A_362 : i32 to index
        %get3A_368 = arith.index_cast %add3A_367 : i32 to index
        %get3A_369 = tpu.vector_load %arg4[%get3A, %get3A_368] {strides = array<i32>} : memref<26x512xi32, #tpu.memory_space<vmem>>, vector<16xi32>,
        %add3A_370 = arith.constant 0 : i32
        %add3A_371 = vector.broadcast %add3A_370 : i32 to vector<16xi32>
        %add3A_372 = arith.addi %get3A_369, %add3A_371 : vector<16xi32>
        %mul3A_373 = arith.constant 16 : i32
        %mul3A_374 = arith.muli %scan3A_358, %mul3A_373 : i32
        %add3A_375 = vector.broadcast %mul3A_374 : i32 to vector<16xi32>
        %add3A_376 = arith.addi %iota3A, %add3A_375 : vector<16xi32>
        tpu.vector_store_idx %arg5[%add3A_372, %add3A_376], %broadcast_in_dim3A_3 : memref<200x128xf32, #tpu.memory_space<vmem>>[vector<16xi32>, vector<16xi32>], vector<16xf32>,
        %mul3A_377 = arith.constant 2 : i32
        %mul3A_378 = arith.muli %select_n3A_137, %mul3A_377 : i32
        %add3A_379 = arith.constant 1 : i32
        %add3A_380 = arith.addi %mul3A_378, %add3A_379 : i32
        %mul3A_381 = arith.constant 128 : i32
        %mul3A_382 = arith.muli %select_n3A_153, %mul3A_381 : i32
        %mul3A_383 = arith.constant 16 : i32
        %mul3A_384 = arith.muli %scan3A_358, %mul3A_383 : i32
        %add3A_385 = arith.addi %mul3A_382, %mul3A_384 : i32
        %get3A_386 = arith.index_cast %add3A_380 : i32 to index
        %get3A_387 = arith.index_cast %add3A_385 : i32 to index
        %get3A_388 = tpu.vector_load %arg4[%get3A_386, %get3A_387] {strides = array<i32>} : memref<26x512xi32, #tpu.memory_space<vmem>>, vector<16xi32>,
        %add3A_389 = arith.constant 100 : i32
        %add3A_390 = vector.broadcast %add3A_389 : i32 to vector<16xi32>
        %add3A_391 = arith.addi %get3A_388, %add3A_390 : vector<16xi32>
        %mul3A_392 = arith.constant 16 : i32
        %mul3A_393 = arith.muli %scan3A_358, %mul3A_392 : i32
        %add3A_394 = vector.broadcast %mul3A_393 : i32 to vector<16xi32>
        %add3A_395 = arith.addi %iota3A, %add3A_394 : vector<16xi32>
        tpu.vector_store_idx %arg5[%add3A_391, %add3A_395], %broadcast_in_dim3A_3 : memref<200x128xf32, #tpu.memory_space<vmem>>[vector<16xi32>, vector<16xi32>], vector<16xf32>,
      }
      %scan3A_159 = arith.constant 8 : i32
      %jit3A_160 = arith.constant 4 : i32
      %div3A_161 = arith.divsi %add3A_69, %jit3A_160 : i32
      %sign3A_162 = arith.constant 0 : i32
      %sign3A_163 = arith.cmpi sgt, %add3A_69, %sign3A_162 : i32
      %sign3A_164 = arith.extui %sign3A_163 : i1 to i32
      %sign3A_165 = arith.constant 0 : i32
      %sign3A_166 = arith.cmpi slt, %add3A_69, %sign3A_165 : i32
      %sign3A_167 = arith.extui %sign3A_166 : i1 to i32
      %sign3A_168 = arith.subi %sign3A_164, %sign3A_167 : i32
      %sign3A_169 = arith.constant 0 : i32
      %sign3A_170 = arith.cmpi sgt, %jit3A_160, %sign3A_169 : i32
      %sign3A_171 = arith.extui %sign3A_170 : i1 to i32
      %sign3A_172 = arith.constant 0 : i32
      %sign3A_173 = arith.cmpi slt, %jit3A_160, %sign3A_172 : i32
      %sign3A_174 = arith.extui %sign3A_173 : i1 to i32
      %sign3A_175 = arith.subi %sign3A_171, %sign3A_174 : i32
      %ne3A_176 = arith.cmpi ne, %sign3A_168, %sign3A_175 : i32
      %rem3A_177 = arith.remsi %add3A_69, %jit3A_160 : i32
      %ne3A_178 = arith.constant 0 : i32
      %ne3A_179 = arith.cmpi ne, %rem3A_177, %ne3A_178 : i32
      %and3A_180 = arith.andi %ne3A_176, %ne3A_179 : i1
      %sub3A_181 = arith.constant 1 : i32
      %sub3A_182 = arith.subi %div3A_161, %sub3A_181 : i32
      %select_n3A_183 = arith.select %and3A_180, %sub3A_182, %div3A_161 : i32
      %jit3A_184 = arith.constant 4 : i32
      %eq3A_185 = arith.constant 0 : i32
      %eq3A_186 = arith.cmpi eq, %jit3A_184, %eq3A_185 : i32
      %jit3A_187 = arith.constant 1 : i32
      %select_n3A_188 = arith.select %eq3A_186, %jit3A_187, %jit3A_184 : i32
      %rem3A_189 = arith.remsi %add3A_69, %select_n3A_188 : i32
      %ne3A_190 = arith.constant 0 : i32
      %ne3A_191 = arith.cmpi ne, %rem3A_189, %ne3A_190 : i32
      %lt3A_192 = arith.constant 0 : i32
      %lt3A_193 = arith.cmpi slt, %rem3A_189, %lt3A_192 : i32
      %lt3A_194 = arith.constant 0 : i32
      %lt3A_195 = arith.cmpi slt, %select_n3A_188, %lt3A_194 : i32
      %ne3A_196 = arith.xori %lt3A_193, %lt3A_195 : i1
      %and3A_197 = arith.andi %ne3A_196, %ne3A_191 : i1
      %add3A_198 = arith.addi %rem3A_189, %select_n3A_188 : i32
      %select_n3A_199 = arith.select %and3A_197, %add3A_198, %rem3A_189 : i32
      %mul3A_200 = arith.constant 200 : i32
      %mul3A_201 = arith.muli %select_n3A_183, %mul3A_200 : i32
      %mul3A_202 = arith.constant 128 : i32
      %mul3A_203 = arith.muli %select_n3A_199, %mul3A_202 : i32
      %add3A_204 = arith.addi %mul3A_2, %mul3A_203 : i32
      %dma_start3A_205 = tpu.memref_slice %arg3[%mul3A_201, %add3A_204] : memref<2600x16384xf32, #tpu.memory_space<hbm>> -> memref<200x128xf32, #tpu.memory_space<hbm>>
      %dma_start3A_206 = tpu.memref_slice %arg3[%mul3A_201, %add3A_204] : memref<2600x16384xf32, #tpu.memory_space<hbm>> -> memref<200x128xf32, #tpu.memory_space<hbm>>
      tpu.enqueue_dma source(%arg5 : memref<200x128xf32, #tpu.memory_space<vmem>>) target(%dma_start3A_206 : memref<200x128xf32, #tpu.memory_space<hbm>>) target_semaphore(%arg7 : memref<!tpu.dma_semaphore, #tpu.memory_space<semaphore_mem>>)
      %mul3A_207 = arith.constant 2 : i32
      %mul3A_208 = arith.muli %scan3A_65, %mul3A_207 : i32
      %add3A_209 = arith.constant 1 : i32
      %add3A_210 = arith.addi %mul3A_208, %add3A_209 : i32
      %dma_wait3A_211 = arith.constant 0 : i32
      %dma_wait3A_212 = arith.constant 0 : i32
      %dma_wait3A_213 = tpu.memref_slice %arg3[%dma_wait3A_211, %dma_wait3A_212] : memref<2600x16384xf32, #tpu.memory_space<hbm>> -> memref<200x128xf32, #tpu.memory_space<hbm>>
      %dma_wait3A_214 = arith.constant 0 : i32
      %dma_wait3A_215 = arith.constant 0 : i32
      %dma_wait3A_216 = tpu.memref_slice %arg3[%dma_wait3A_214, %dma_wait3A_215] : memref<2600x16384xf32, #tpu.memory_space<hbm>> -> memref<200x128xf32, #tpu.memory_space<hbm>>
      tpu.wait_dma2 semaphore(%arg8 : memref<!tpu.dma_semaphore, #tpu.memory_space<semaphore_mem>>) src(%arg6 : memref<200x128xf32, #tpu.memory_space<vmem>>) dst(%dma_wait3A_216 : memref<200x128xf32, #tpu.memory_space<hbm>>)
      %sub3A_217 = arith.constant 2 : i32
      %sub3A_218 = arith.subi %add3A_210, %sub3A_217 : i32
      %jit3A_219 = arith.constant 4 : i32
      %div3A_220 = arith.divsi %sub3A_218, %jit3A_219 : i32
      %sign3A_221 = arith.constant 0 : i32
      %sign3A_222 = arith.cmpi sgt, %sub3A_218, %sign3A_221 : i32
      %sign3A_223 = arith.extui %sign3A_222 : i1 to i32
      %sign3A_224 = arith.constant 0 : i32
      %sign3A_225 = arith.cmpi slt, %sub3A_218, %sign3A_224 : i32
      %sign3A_226 = arith.extui %sign3A_225 : i1 to i32
      %sign3A_227 = arith.subi %sign3A_223, %sign3A_226 : i32
      %sign3A_228 = arith.constant 0 : i32
      %sign3A_229 = arith.cmpi sgt, %jit3A_219, %sign3A_228 : i32
      %sign3A_230 = arith.extui %sign3A_229 : i1 to i32
      %sign3A_231 = arith.constant 0 : i32
      %sign3A_232 = arith.cmpi slt, %jit3A_219, %sign3A_231 : i32
      %sign3A_233 = arith.extui %sign3A_232 : i1 to i32
      %sign3A_234 = arith.subi %sign3A_230, %sign3A_233 : i32
      %ne3A_235 = arith.cmpi ne, %sign3A_227, %sign3A_234 : i32
      %rem3A_236 = arith.remsi %sub3A_218, %jit3A_219 : i32
      %ne3A_237 = arith.constant 0 : i32
      %ne3A_238 = arith.cmpi ne, %rem3A_236, %ne3A_237 : i32
      %and3A_239 = arith.andi %ne3A_235, %ne3A_238 : i1
      %sub3A_240 = arith.constant 1 : i32
      %sub3A_241 = arith.subi %div3A_220, %sub3A_240 : i32
      %select_n3A_242 = arith.select %and3A_239, %sub3A_241, %div3A_220 : i32
      %jit3A_243 = arith.constant 4 : i32
      %eq3A_244 = arith.constant 0 : i32
      %eq3A_245 = arith.cmpi eq, %jit3A_243, %eq3A_244 : i32
      %jit3A_246 = arith.constant 1 : i32
      %select_n3A_247 = arith.select %eq3A_245, %jit3A_246, %jit3A_243 : i32
      %rem3A_248 = arith.remsi %sub3A_218, %select_n3A_247 : i32
      %ne3A_249 = arith.constant 0 : i32
      %ne3A_250 = arith.cmpi ne, %rem3A_248, %ne3A_249 : i32
      %lt3A_251 = arith.constant 0 : i32
      %lt3A_252 = arith.cmpi slt, %rem3A_248, %lt3A_251 : i32
      %lt3A_253 = arith.constant 0 : i32
      %lt3A_254 = arith.cmpi slt, %select_n3A_247, %lt3A_253 : i32
      %ne3A_255 = arith.xori %lt3A_252, %lt3A_254 : i1
      %and3A_256 = arith.andi %ne3A_255, %ne3A_250 : i1
      %add3A_257 = arith.addi %rem3A_248, %select_n3A_247 : i32
      %select_n3A_258 = arith.select %and3A_256, %add3A_257, %rem3A_248 : i32
      %scan3A_259 = arith.constant 0 : i32
      %scan3A_260 = arith.constant 0 : i32
      %scan3A_261 = arith.constant 8 : i32
      %scan3A_262 = arith.addi %scan3A_260, %scan3A_261 : i32
      %scan3A_263 = arith.constant 1 : i32
      scf.for %scan3A_358 = %scan3A_260 to %scan3A_262 step %scan3A_263  : i32 {
        %mul3A_359 = arith.constant 2 : i32
        %mul3A_360 = arith.muli %select_n3A_242, %mul3A_359 : i32
        %add3A_361 = arith.constant 0 : i32
        %add3A_362 = arith.addi %mul3A_360, %add3A_361 : i32
        %mul3A_363 = arith.constant 128 : i32
        %mul3A_364 = arith.muli %select_n3A_258, %mul3A_363 : i32
        %mul3A_365 = arith.constant 16 : i32
        %mul3A_366 = arith.muli %scan3A_358, %mul3A_365 : i32
        %add3A_367 = arith.addi %mul3A_364, %mul3A_366 : i32
        %get3A = arith.index_cast %add3A_362 : i32 to index
        %get3A_368 = arith.index_cast %add3A_367 : i32 to index
        %get3A_369 = tpu.vector_load %arg4[%get3A, %get3A_368] {strides = array<i32>} : memref<26x512xi32, #tpu.memory_space<vmem>>, vector<16xi32>,
        %add3A_370 = arith.constant 0 : i32
        %add3A_371 = vector.broadcast %add3A_370 : i32 to vector<16xi32>
        %add3A_372 = arith.addi %get3A_369, %add3A_371 : vector<16xi32>
        %mul3A_373 = arith.constant 16 : i32
        %mul3A_374 = arith.muli %scan3A_358, %mul3A_373 : i32
        %add3A_375 = vector.broadcast %mul3A_374 : i32 to vector<16xi32>
        %add3A_376 = arith.addi %iota3A, %add3A_375 : vector<16xi32>
        tpu.vector_store_idx %arg6[%add3A_372, %add3A_376], %broadcast_in_dim3A_5 : memref<200x128xf32, #tpu.memory_space<vmem>>[vector<16xi32>, vector<16xi32>], vector<16xf32>,
        %mul3A_377 = arith.constant 2 : i32
        %mul3A_378 = arith.muli %select_n3A_242, %mul3A_377 : i32
        %add3A_379 = arith.constant 1 : i32
        %add3A_380 = arith.addi %mul3A_378, %add3A_379 : i32
        %mul3A_381 = arith.constant 128 : i32
        %mul3A_382 = arith.muli %select_n3A_258, %mul3A_381 : i32
        %mul3A_383 = arith.constant 16 : i32
        %mul3A_384 = arith.muli %scan3A_358, %mul3A_383 : i32
        %add3A_385 = arith.addi %mul3A_382, %mul3A_384 : i32
        %get3A_386 = arith.index_cast %add3A_380 : i32 to index
        %get3A_387 = arith.index_cast %add3A_385 : i32 to index
        %get3A_388 = tpu.vector_load %arg4[%get3A_386, %get3A_387] {strides = array<i32>} : memref<26x512xi32, #tpu.memory_space<vmem>>, vector<16xi32>,
        %add3A_389 = arith.constant 100 : i32
        %add3A_390 = vector.broadcast %add3A_389 : i32 to vector<16xi32>
        %add3A_391 = arith.addi %get3A_388, %add3A_390 : vector<16xi32>
        %mul3A_392 = arith.constant 16 : i32
        %mul3A_393 = arith.muli %scan3A_358, %mul3A_392 : i32
        %add3A_394 = vector.broadcast %mul3A_393 : i32 to vector<16xi32>
        %add3A_395 = arith.addi %iota3A, %add3A_394 : vector<16xi32>
        tpu.vector_store_idx %arg6[%add3A_391, %add3A_395], %broadcast_in_dim3A_5 : memref<200x128xf32, #tpu.memory_space<vmem>>[vector<16xi32>, vector<16xi32>], vector<16xf32>,
      }
      %scan3A_264 = arith.constant 8 : i32
      %jit3A_265 = arith.constant 4 : i32
      %div3A_266 = arith.divsi %add3A_210, %jit3A_265 : i32
      %sign3A_267 = arith.constant 0 : i32
      %sign3A_268 = arith.cmpi sgt, %add3A_210, %sign3A_267 : i32
      %sign3A_269 = arith.extui %sign3A_268 : i1 to i32
      %sign3A_270 = arith.constant 0 : i32
      %sign3A_271 = arith.cmpi slt, %add3A_210, %sign3A_270 : i32
      %sign3A_272 = arith.extui %sign3A_271 : i1 to i32
      %sign3A_273 = arith.subi %sign3A_269, %sign3A_272 : i32
      %sign3A_274 = arith.constant 0 : i32
      %sign3A_275 = arith.cmpi sgt, %jit3A_265, %sign3A_274 : i32
      %sign3A_276 = arith.extui %sign3A_275 : i1 to i32
      %sign3A_277 = arith.constant 0 : i32
      %sign3A_278 = arith.cmpi slt, %jit3A_265, %sign3A_277 : i32
      %sign3A_279 = arith.extui %sign3A_278 : i1 to i32
      %sign3A_280 = arith.subi %sign3A_276, %sign3A_279 : i32
      %ne3A_281 = arith.cmpi ne, %sign3A_273, %sign3A_280 : i32
      %rem3A_282 = arith.remsi %add3A_210, %jit3A_265 : i32
      %ne3A_283 = arith.constant 0 : i32
      %ne3A_284 = arith.cmpi ne, %rem3A_282, %ne3A_283 : i32
      %and3A_285 = arith.andi %ne3A_281, %ne3A_284 : i1
      %sub3A_286 = arith.constant 1 : i32
      %sub3A_287 = arith.subi %div3A_266, %sub3A_286 : i32
      %select_n3A_288 = arith.select %and3A_285, %sub3A_287, %div3A_266 : i32
      %jit3A_289 = arith.constant 4 : i32
      %eq3A_290 = arith.constant 0 : i32
      %eq3A_291 = arith.cmpi eq, %jit3A_289, %eq3A_290 : i32
      %jit3A_292 = arith.constant 1 : i32
      %select_n3A_293 = arith.select %eq3A_291, %jit3A_292, %jit3A_289 : i32
      %rem3A_294 = arith.remsi %add3A_210, %select_n3A_293 : i32
      %ne3A_295 = arith.constant 0 : i32
      %ne3A_296 = arith.cmpi ne, %rem3A_294, %ne3A_295 : i32
      %lt3A_297 = arith.constant 0 : i32
      %lt3A_298 = arith.cmpi slt, %rem3A_294, %lt3A_297 : i32
      %lt3A_299 = arith.constant 0 : i32
      %lt3A_300 = arith.cmpi slt, %select_n3A_293, %lt3A_299 : i32
      %ne3A_301 = arith.xori %lt3A_298, %lt3A_300 : i1
      %and3A_302 = arith.andi %ne3A_301, %ne3A_296 : i1
      %add3A_303 = arith.addi %rem3A_294, %select_n3A_293 : i32
      %select_n3A_304 = arith.select %and3A_302, %add3A_303, %rem3A_294 : i32
      %scan3A_305 = arith.constant 0 : i32
      %scan3A_306 = arith.constant 0 : i32
      %scan3A_307 = arith.constant 8 : i32
      %scan3A_308 = arith.addi %scan3A_306, %scan3A_307 : i32
      %scan3A_309 = arith.constant 1 : i32
      scf.for %scan3A_358 = %scan3A_306 to %scan3A_308 step %scan3A_309  : i32 {
        %mul3A_359 = arith.constant 2 : i32
        %mul3A_360 = arith.muli %select_n3A_288, %mul3A_359 : i32
        %add3A_361 = arith.constant 0 : i32
        %add3A_362 = arith.addi %mul3A_360, %add3A_361 : i32
        %mul3A_363 = arith.constant 128 : i32
        %mul3A_364 = arith.muli %select_n3A_304, %mul3A_363 : i32
        %mul3A_365 = arith.constant 16 : i32
        %mul3A_366 = arith.muli %scan3A_358, %mul3A_365 : i32
        %add3A_367 = arith.addi %mul3A_364, %mul3A_366 : i32
        %get3A = arith.index_cast %add3A_362 : i32 to index
        %get3A_368 = arith.index_cast %add3A_367 : i32 to index
        %get3A_369 = tpu.vector_load %arg4[%get3A, %get3A_368] {strides = array<i32>} : memref<26x512xi32, #tpu.memory_space<vmem>>, vector<16xi32>,
        %add3A_370 = arith.constant 0 : i32
        %add3A_371 = vector.broadcast %add3A_370 : i32 to vector<16xi32>
        %add3A_372 = arith.addi %get3A_369, %add3A_371 : vector<16xi32>
        %mul3A_373 = arith.constant 16 : i32
        %mul3A_374 = arith.muli %scan3A_358, %mul3A_373 : i32
        %add3A_375 = vector.broadcast %mul3A_374 : i32 to vector<16xi32>
        %add3A_376 = arith.addi %iota3A, %add3A_375 : vector<16xi32>
        tpu.vector_store_idx %arg6[%add3A_372, %add3A_376], %broadcast_in_dim3A_3 : memref<200x128xf32, #tpu.memory_space<vmem>>[vector<16xi32>, vector<16xi32>], vector<16xf32>,
        %mul3A_377 = arith.constant 2 : i32
        %mul3A_378 = arith.muli %select_n3A_288, %mul3A_377 : i32
        %add3A_379 = arith.constant 1 : i32
        %add3A_380 = arith.addi %mul3A_378, %add3A_379 : i32
        %mul3A_381 = arith.constant 128 : i32
        %mul3A_382 = arith.muli %select_n3A_304, %mul3A_381 : i32
        %mul3A_383 = arith.constant 16 : i32
        %mul3A_384 = arith.muli %scan3A_358, %mul3A_383 : i32
        %add3A_385 = arith.addi %mul3A_382, %mul3A_384 : i32
        %get3A_386 = arith.index_cast %add3A_380 : i32 to index
        %get3A_387 = arith.index_cast %add3A_385 : i32 to index
        %get3A_388 = tpu.vector_load %arg4[%get3A_386, %get3A_387] {strides = array<i32>} : memref<26x512xi32, #tpu.memory_space<vmem>>, vector<16xi32>,
        %add3A_389 = arith.constant 100 : i32
        %add3A_390 = vector.broadcast %add3A_389 : i32 to vector<16xi32>
        %add3A_391 = arith.addi %get3A_388, %add3A_390 : vector<16xi32>
        %mul3A_392 = arith.constant 16 : i32
        %mul3A_393 = arith.muli %scan3A_358, %mul3A_392 : i32
        %add3A_394 = vector.broadcast %mul3A_393 : i32 to vector<16xi32>
        %add3A_395 = arith.addi %iota3A, %add3A_394 : vector<16xi32>
        tpu.vector_store_idx %arg6[%add3A_391, %add3A_395], %broadcast_in_dim3A_3 : memref<200x128xf32, #tpu.memory_space<vmem>>[vector<16xi32>, vector<16xi32>], vector<16xf32>,
      }
      %scan3A_310 = arith.constant 8 : i32
      %jit3A_311 = arith.constant 4 : i32
      %div3A_312 = arith.divsi %add3A_210, %jit3A_311 : i32
      %sign3A_313 = arith.constant 0 : i32
      %sign3A_314 = arith.cmpi sgt, %add3A_210, %sign3A_313 : i32
      %sign3A_315 = arith.extui %sign3A_314 : i1 to i32
      %sign3A_316 = arith.constant 0 : i32
      %sign3A_317 = arith.cmpi slt, %add3A_210, %sign3A_316 : i32
      %sign3A_318 = arith.extui %sign3A_317 : i1 to i32
      %sign3A_319 = arith.subi %sign3A_315, %sign3A_318 : i32
      %sign3A_320 = arith.constant 0 : i32
      %sign3A_321 = arith.cmpi sgt, %jit3A_311, %sign3A_320 : i32
      %sign3A_322 = arith.extui %sign3A_321 : i1 to i32
      %sign3A_323 = arith.constant 0 : i32
      %sign3A_324 = arith.cmpi slt, %jit3A_311, %sign3A_323 : i32
      %sign3A_325 = arith.extui %sign3A_324 : i1 to i32
      %sign3A_326 = arith.subi %sign3A_322, %sign3A_325 : i32
      %ne3A_327 = arith.cmpi ne, %sign3A_319, %sign3A_326 : i32
      %rem3A_328 = arith.remsi %add3A_210, %jit3A_311 : i32
      %ne3A_329 = arith.constant 0 : i32
      %ne3A_330 = arith.cmpi ne, %rem3A_328, %ne3A_329 : i32
      %and3A_331 = arith.andi %ne3A_327, %ne3A_330 : i1
      %sub3A_332 = arith.constant 1 : i32
      %sub3A_333 = arith.subi %div3A_312, %sub3A_332 : i32
      %select_n3A_334 = arith.select %and3A_331, %sub3A_333, %div3A_312 : i32
      %jit3A_335 = arith.constant 4 : i32
      %eq3A_336 = arith.constant 0 : i32
      %eq3A_337 = arith.cmpi eq, %jit3A_335, %eq3A_336 : i32
      %jit3A_338 = arith.constant 1 : i32
      %select_n3A_339 = arith.select %eq3A_337, %jit3A_338, %jit3A_335 : i32
      %rem3A_340 = arith.remsi %add3A_210, %select_n3A_339 : i32
      %ne3A_341 = arith.constant 0 : i32
      %ne3A_342 = arith.cmpi ne, %rem3A_340, %ne3A_341 : i32
      %lt3A_343 = arith.constant 0 : i32
      %lt3A_344 = arith.cmpi slt, %rem3A_340, %lt3A_343 : i32
      %lt3A_345 = arith.constant 0 : i32
      %lt3A_346 = arith.cmpi slt, %select_n3A_339, %lt3A_345 : i32
      %ne3A_347 = arith.xori %lt3A_344, %lt3A_346 : i1
      %and3A_348 = arith.andi %ne3A_347, %ne3A_342 : i1
      %add3A_349 = arith.addi %rem3A_340, %select_n3A_339 : i32
      %select_n3A_350 = arith.select %and3A_348, %add3A_349, %rem3A_340 : i32
      %mul3A_351 = arith.constant 200 : i32
      %mul3A_352 = arith.muli %select_n3A_334, %mul3A_351 : i32
      %mul3A_353 = arith.constant 128 : i32
      %mul3A_354 = arith.muli %select_n3A_350, %mul3A_353 : i32
      %add3A_355 = arith.addi %mul3A_2, %mul3A_354 : i32
      %dma_start3A_356 = tpu.memref_slice %arg3[%mul3A_352, %add3A_355] : memref<2600x16384xf32, #tpu.memory_space<hbm>> -> memref<200x128xf32, #tpu.memory_space<hbm>>
      %dma_start3A_357 = tpu.memref_slice %arg3[%mul3A_352, %add3A_355] : memref<2600x16384xf32, #tpu.memory_space<hbm>> -> memref<200x128xf32, #tpu.memory_space<hbm>>
      tpu.enqueue_dma source(%arg6 : memref<200x128xf32, #tpu.memory_space<vmem>>) target(%dma_start3A_357 : memref<200x128xf32, #tpu.memory_space<hbm>>) target_semaphore(%arg8 : memref<!tpu.dma_semaphore, #tpu.memory_space<semaphore_mem>>)
    }
    %scan3A_52 = arith.constant 25 : i32
    %dma_wait3A_53 = arith.constant 0 : i32
    %dma_wait3A_54 = arith.constant 0 : i32
    %dma_wait3A_55 = tpu.memref_slice %arg3[%dma_wait3A_53, %dma_wait3A_54] : memref<2600x16384xf32, #tpu.memory_space<hbm>> -> memref<200x128xf32, #tpu.memory_space<hbm>>
    %dma_wait3A_56 = arith.constant 0 : i32
    %dma_wait3A_57 = arith.constant 0 : i32
    %dma_wait3A_58 = tpu.memref_slice %arg3[%dma_wait3A_56, %dma_wait3A_57] : memref<2600x16384xf32, #tpu.memory_space<hbm>> -> memref<200x128xf32, #tpu.memory_space<hbm>>
    tpu.wait_dma2 semaphore(%arg7 : memref<!tpu.dma_semaphore, #tpu.memory_space<semaphore_mem>>) src(%arg5 : memref<200x128xf32, #tpu.memory_space<vmem>>) dst(%dma_wait3A_58 : memref<200x128xf32, #tpu.memory_space<hbm>>)
    %dma_wait3A_59 = arith.constant 0 : i32
    %dma_wait3A_60 = arith.constant 0 : i32
    %dma_wait3A_61 = tpu.memref_slice %arg3[%dma_wait3A_59, %dma_wait3A_60] : memref<2600x16384xf32, #tpu.memory_space<hbm>> -> memref<200x128xf32, #tpu.memory_space<hbm>>
    %dma_wait3A_62 = arith.constant 0 : i32
    %dma_wait3A_63 = arith.constant 0 : i32
    %dma_wait3A_64 = tpu.memref_slice %arg3[%dma_wait3A_62, %dma_wait3A_63] : memref<2600x16384xf32, #tpu.memory_space<hbm>> -> memref<200x128xf32, #tpu.memory_space<hbm>>
    tpu.wait_dma2 semaphore(%arg8 : memref<!tpu.dma_semaphore, #tpu.memory_space<semaphore_mem>>) src(%arg6 : memref<200x128xf32, #tpu.memory_space<vmem>>) dst(%dma_wait3A_64 : memref<200x128xf32, #tpu.memory_space<hbm>>)
    return
  }
}

</mosaic_0001>

<sc_bundles>
// kernel: _onehot_t.3.cloned.1.call-start
scs
__scs_entry_jumppad:
0x0: {  	(pc) =	sbr.rel $0x88, $3  }
0x1: {  	(tag) =	ssettag $0x0;
	lr =	simm.s32 $0x1  }
0x2: {  	[smem:$0x3FA0] =	sst lr;
	_ =	strace $0xD0000000  }
0x3: {  	_ = 	snop  }
0x4: {  	_ = 	snop  }
0x5: {  	_ = 	snop  }
0x6: {  	_ = 	snop  }
0x7: {  	_ = 	snop  }
__scs_overlays_trampoline_lowered:
0x8: {  	[smem:$0x3FAF] =	sst s0  }
0x9: {  	[smem:$0x3FB0] =	sst s1  }
0xa: {  	[smem:$0x3FB1] =	sst s2  }
0xb: {  	[smem:$0x3FB2] =	sst s3  }
0xc: {  	[smem:$0x3FB3] =	sst s4  }
0xd: {  	[smem:$0x3FB4] =	sst s5  }
0xe: {  	[smem:$0x3FB5] =	sst s6  }
0xf: {  	[smem:$0x3FB6] =	sst s7  }
0x10: {  	[smem:$0x3FB7] =	sst s8  }
0x11: {  	[smem:$0x3FB8] =	sst s9;
	s0 =	simm.s32 @!p0 $0x0  }
0x12: {  	s1 =	sld [smem:$0x3F9E];
	s0 =	simm.s32 @p0 $0x1  }
0x13: {  	[smem:$0x3FB9] =	sst s0;
	s0 =	simm.s32 @!p1 $0x0  }
0x14: {  	s2 =	sld [smem:$0x3F9D];
	s0 =	simm.s32 @p1 $0x1  }
0x15: {  	[smem:$0x3FBA] =	sst s0;
	s0 =	simm.s32 @!p2 $0x0  }
0x16: {  	s3 =	sld [smem:$0x3FDB];
	s0 =	simm.s32 @p2 $0x1  }
0x17: {  	s4 =	simm.s32 $0x1BF5;
	[smem:$0x3FBC] =	sst s0  }
0x18: {  	s0 =	sld [smem:$0x3F9F];
	_ =	swait.ge [sflag:s4], $0x0  }
0x19: {  	s7 =	sld [smem:$0x3FA0]  }
0x1a: {  	s8 =	sadd.s32 $0xFFFFE003, lr  }
0x1b: {  	s9 =	sadd.s32 $0xFFFFFEF7, lr;
	s5 =	simm.s32 $0xFFFFFFFF;
	p2 =	slt.u32 s8, $0xFFFFF086  }
0x1c: {  	p1 =	slt.u32 s9, $0xF7A;
	s5 =	simm.s32 @!p2 $0x0  }
0x1d: {  	s5 =	simm.s32 @p1 $0x1;
	p0 =	seq.s32 s7, s2  }
0x1e: {  	s7 =	smul.u32 @!p0 $0xF7A, s2;
	p2 =	seq.s32 @!p0 s5, $0x0  }
0x1f: {  	s9 =	smul.u32 $0xF7A, s1;
	s8 =	simm.s32 @!p0 $0x1BF5;
	p2 =	por !p2, p0  }
0x20: {  	[sflag:s8] =	ssyncset.s32 @!p0 $0xFFFFF086;
	s6 =	sadd.s32 @!p0 s3, s7;
	s7 =	simm.s32 @!p0 $0x108  }
0x21: {  	s3 =	sadd.s32 s3, s9;
	s6 =	sadd.s32 @!p0 $0x88, s6;
	s7 =	simm.s32 @p2 $0x1082  }
0x22: {  	[simem:s7], [sflag:s8] =	dma.local @!p0 [hbm:s6], $0xF7A  }
0x23: {  	s9 =	sor.u32 $0xD0000000, s2;
	s6 =	simm.s32 $0x108;
	_ =	swait.ge @!p0 [sflag:s8], $0x0  }
0x24: {  	s3 =	sadd.s32 $0x88, s3;
	s6 =	simm.s32 @!p1 $0x1082;
	[sflag:s4] =	ssyncset.s32 $0xFFFFF086  }
0x25: {  	[simem:s6], [sflag:s4] =	dma.local [hbm:s3], $0xF7A  }
0x26: {  	[smem:$0x3FA0] =	sst s1;
	(tag) =	ssettag s2;
	_ =	strace s9  }
0x27: {  	s1 =	sld [smem:$0x3FB0]  }
0x28: {  	s2 =	sld [smem:$0x3FB1]  }
0x29: {  	s4 =	sld [smem:$0x3FB3]  }
0x2a: {  	p0 =	seq.s32 s5, $0x0;
	s5 =	sld [smem:$0x3FB4]  }
0x2b: {  	s6 =	sld [smem:$0x3FB5]  }
0x2c: {  	s7 =	sld [smem:$0x3FB6]  }
0x2d: {  	s3 =	simm.s32 $0x108;
	s8 =	sld [smem:$0x3FB7]  }
0x2e: {  	s3 =	simm.s32 @!p0 $0x1082;
	s9 =	sld [smem:$0x3FB8]  }
0x2f: {  	lr =	sadd.s32 s0, s3;
	s0 =	sld [smem:$0x3FAF]  }
0x30: {  	s3 =	sld [smem:$0x3FB2]  }
0x31: {  	[smem:$0x3FBB] =	sst s10  }
0x32: {  	s10 =	sld [smem:$0x3FB9];
	_ =	sdelay $0x3  }
0x33: {  	p0 =	seq.s32 s10, $0x1;
	s10 =	sld [smem:$0x3FBB];
	_ =	sdelay $0x3  }
0x34: {  	[smem:$0x3FBB] =	sst s10  }
0x35: {  	s10 =	sld [smem:$0x3FBA];
	_ =	sdelay $0x3  }
0x36: {  	p1 =	seq.s32 s10, $0x1;
	s10 =	sld [smem:$0x3FBB];
	_ =	sdelay $0x3  }
0x37: {  	[smem:$0x3FBB] =	sst s10  }
0x38: {  	s10 =	sld [smem:$0x3FBC]  }
0x39: {  	_ = 	snop;
	(pc) =	sbr.ind lr, $3  }
0x3a: {  	_ = 	snop  }
0x3b: {  	_ = 	snop  }
0x3c: {  	p2 =	seq.s32 s10, $0x1;
	s10 =	sld [smem:$0x3FBB]  }
0x3d: {  	_ =	shalt  }
0x3e: {  	_ =	shalt  }
0x3f: {  	_ =	shalt  }
0x40: {  	_ =	shalt  }
0x41: {  	_ =	shalt  }
0x42: {  	_ =	shalt  }
0x43: {  	_ =	shalt  }
0x44: {  	_ =	shalt  }
0x45: {  	_ =	shalt  }
0x46: {  	_ =	shalt  }
0x47: {  	_ =	shalt  }
0x48: {  	_ =	shalt  }
0x49: {  	_ =	shalt  }
0x4a: {  	_ =	shalt  }
0x4b: {  	_ =	shalt  }
0x4c: {  	_ =	shalt  }
0x4d: {  	_ =	shalt  }
0x4e: {  	_ =	shalt  }
0x4f: {  	_ =	shalt  }
0x50: {  	_ =	shalt  }
0x51: {  	_ =	shalt  }
0x52: {  	_ =	shalt  }
0x53: {  	_ =	shalt  }
0x54: {  	_ =	shalt  }
0x55: {  	_ =	shalt  }
0x56: {  	_ =	shalt  }
0x57: {  	_ =	shalt  }
0x58: {  	_ =	shalt  }
0x59: {  	_ =	shalt  }
0x5a: {  	_ =	shalt  }
0x5b: {  	_ =	shalt  }
0x5c: {  	_ =	shalt  }
0x5d: {  	_ =	shalt  }
0x5e: {  	_ =	shalt  }
0x5f: {  	_ =	shalt  }
0x60: {  	_ =	shalt  }
0x61: {  	_ =	shalt  }
0x62: {  	_ =	shalt  }
0x63: {  	_ =	shalt  }
0x64: {  	_ =	shalt  }
0x65: {  	_ =	shalt  }
0x66: {  	_ =	shalt  }
0x67: {  	_ =	shalt  }
0x68: {  	_ =	shalt  }
0x69: {  	_ =	shalt  }
0x6a: {  	_ =	shalt  }
0x6b: {  	_ =	shalt  }
0x6c: {  	_ =	shalt  }
0x6d: {  	_ =	shalt  }
0x6e: {  	_ =	shalt  }
0x6f: {  	_ =	shalt  }
0x70: {  	_ =	shalt  }
0x71: {  	_ =	shalt  }
0x72: {  	_ =	shalt  }
0x73: {  	_ =	shalt  }
0x74: {  	_ =	shalt  }
0x75: {  	_ =	shalt  }
0x76: {  	_ =	shalt  }
0x77: {  	_ =	shalt  }
0x78: {  	_ =	shalt  }
0x79: {  	_ =	shalt  }
0x7a: {  	_ =	shalt  }
0x7b: {  	_ =	shalt  }
0x7c: {  	_ =	shalt  }
0x7d: {  	_ =	shalt  }
0x7e: {  	_ =	shalt  }
0x7f: {  	_ =	shalt  }
0x80: {  	_ =	shalt  }
0x81: {  	_ =	shalt  }
0x82: {  	_ =	shalt  }
0x83: {  	_ =	shalt  }
0x84: {  	_ =	shalt  }
0x85: {  	_ =	shalt  }
0x86: {  	_ =	shalt  }
0x87: {  	_ =	shalt  }
.Lfunc_end0:
.L_simem_size_0:
called_computation_lowered:
.L_overlay_start_0:
0x88: {  	s2 =	sld [smem:$0x3FD9]  }
0x89: {  	s3 =	sld [smem:$0x3FFE];
	_ =	sdelay $0x1  }
0x8a: {  	s1 =	srdreg.scid  }
0x8b: {  	s0 =	sand.u32 $0x1, s1  }
0x8c: {  	s18 =	sshll.u32 s0, $0xA;
	s2 =	sadd.s32 s3, s2  }
0x8d: {  	s2 =	sadd.s32 s2, s18  }
0x8e: {  	[smem:$0x3FC7] =	sst s2  }
0x8f: {  	_ = 	snop  }
0x90: {  	s2 =	sld [smem:$0x3FC9]  }
0x91: {  	s19 =	sld [smem:$0x3FD0];
	(tm) =	ssettm $0x1  }
0x92: {  	s4 =	sld [smem:$0x3FFB];
	_ =	sdelay $0x3  }
0x93: {  	_ =	strace s4  }
0x94: {  	s4 =	sld [smem:$0x3FFC];
	_ =	sdelay $0x3  }
0x95: {  	_ =	strace s4  }
0x96: {  	s4 =	sld [smem:$0x3FFD];
	_ =	sdelay $0x3  }
0x97: {  	_ =	strace s4  }
0x98: {  	_ =	strace $0x8FFFFFFF  }
0x99: {  	s20 =	sld [smem:$0x3FDB];
	_ =	sdelay $0x1  }
0x9a: {  	s5 =	simm.s32 $_scs_section_size  }
0x9b: {  	s6 =	simm.s32 $_size__tile_overlayer_lowered;
	s7 =	simm.s32 $_tile_overlayer_lowered  }
0x9c: {  	s23 =	simm.s32 $0x1BFF;
	s22 =	sshll.u32 s7, $0x1;
	s4 =	sadd.s32 s5, s20  }
0x9d: {  	s8 =	simm.s32 $0x0;
	s21 =	sshll.u32 s6, $0x1;
	s6 =	sadd.s32 s22, s4  }
0x9e: {  	[timem:s8], [sflag:s23] =	dma.local [hbm:s6], s21  }
0x9f: {  	_ =	swait.ge [sflag:s23], s21  }
0xa0: {  	s5 =	ssub.s32 $0x0, s21;
	[sflag:s23] =	ssyncset.done $0x0  }
0xa1: {  	[sflag:s23] =	ssyncadd.s32 s5;
	_ =	sdelay $0x1  }
0xa2: {  	s24 =	simm.s32 $0x1B8B  }
0xa3: {  	_ =	swait.ge [sflag:s24], $0x1  }
0xa4: {  	[sflag:s24] =	ssyncset.done $0x0  }
0xa5: {  	s25 =	simm.s32 $0x1B8E;
	[sflag:s24] =	ssyncadd.s32 $0xFFFFFFFF  }
0xa6: {  	s26 =	simm.s32 $execute0_lowered;
	[smem:$0x3FD2] =	sst s25  }
0xa7: {  	s5 =	sshll.u32 s26, $0x1;
	_ =	strace $0x80000046;
	[dreg:$0x1] =	wrdreg $0xFFFFFFFF  }
0xa8: {  	s28 =	simm.s32 $_size_execute0_lowered;
	s4 =	sadd.s32 s4, s5;
	[dreg:$0x0] =	wrdreg $0x0  }
0xa9: {  	s5 =	sshll.u32 s28, $0x1;
	[dreg:$0x2] =	wrdreg s4  }
0xaa: {  	[dreg:$0x3] =	wrdreg s5  }
0xab: {  	[dreg:$0x4] =	wrdreg $0xC0  }
0xac: {  	_ =	task [dreg:s8], $0x5FFFF  }
0xad: {  	[dreg:$0x1] =	wrdreg $0xFFFFFFFF  }
0xae: {  	[dreg:$0x0] =	wrdreg $0x60  }
0xaf: {  	[dreg:$0x2] =	wrdreg s2  }
0xb0: {  	[dreg:$0x3] =	wrdreg s19  }
0xb1: {  	[dreg:$0x4] =	wrdreg $0x9  }
0xb2: {  	_ =	task.clear_ibuf [dreg:s8], $0x5FFFF;
	_ =	strace $0x90000046  }
0xb3: {  	s29 =	simm.s32 $0x9;
	_ =	strace $0x80000048  }
0xb4: {  	_ =	swait.ge [sflag:s29], $0x1  }
0xb5: {  	[sflag:s29] =	ssyncadd.s32 $0xFFFFFFFF  }
0xb6: {  	_ =	strace $0x90000048  }
0xb7: {  	_ =	sfence  }
0xb8: {  	s30 =	sld [smem:$0x0];
	_ =	sdelay $0x2  }
0xb9: {  	s31 =	sshll.u32 s1, $0xD;
	s1 =	sshrl.u32 s1, $0x2  }
0xba: {  	s3 =	sand.u32 $0x4000, s31;
	s1 =	sadd.s32 s1, s30  }
0xbb: {  	s0 =	sor.u32 s3, s0;
	s1 =	sshll.u32 s1, $0x11  }
0xbc: {  	s0 =	sor.u32 s1, s0  }
0xbd: {  	s0 =	sadd.s32 $0x8F2B, s0  }
0xbe: {  	[sflag:s0] =	ssyncadd.remote.s32 $0x1  }
0xbf: {  	_ =	sfence.sel $0xFFFF  }
0xc0: {  	[dreg:$0x0] =	wrdreg $0xFFFFFFFF;
	(pc) =	sbr.abs _section_cstart, $3  }
0xc1: {  	[dreg:$0x1] =	wrdreg $0xFFFFFFFF  }
0xc2: {  	_ =	task.clear_ibuf [dreg:s8], $0x2FFFF;
	_ =	strace $0x9FFFFFFF  }
0xc3: {  	(tm) =	ssettm $0x7FFFFFFF  }
tec
execute0_lowered:
.L_overlay_start_1:
0x0: {  	(tag) =	ssettag $0x1  }
0x1: {  	s5 =	rddreg [dreg:$0x0]  }
0x2: {  	s2 =	rddreg [dreg:$0x1]  }
0x3: {  	s0 =	rddreg [dreg:$0x2];
	s4 =	srdreg.scid  }
0x4: {  	s3 =	simm.s32 $0x0;
	s1 =	stileid.u32;
	s9 =	simm.s32 $0x1000  }
0x5: {  	s10 =	simm.s32 $0x20000;
	s11 =	simm.s32 $0x1;
	s12 =	simm.s32 $0x4000  }
0x6: {  	s13 =	simm.s32 $0x400;
	s14 =	simm.s32 $0xA400;
	s15 =	simm.s32 $0x2  }
0x7: {  	s16 =	simm.s32 $0x0;
	s4 =	sand.u32 $0x1, s4;
	s7 =	sshll.u32 s1, $0xA  }
0x8: {  	[smem:$0x7FF] =	sst s3;
	s6 =	ssub.s32 $0x2, s4;
	s4 =	sshll.u32 s4, $0x9  }
0x9: {  	_ =	strace $0x80000047;
	s8 =	sshrl.u32 s6, $0x1;
	s7 =	sor.u32 s4, s7  }
0xa: {  	s8 =	ssub.s32 s6, s8;
	s4 =	sadd.s32 s2, s7;
	s5 =	sadd.s32 s5, s7  }
0xb: {  	v0 =	vimm.f32 $0.0e+00;
	v1 =	vlaneseq.u32;
	v2 =	vimm.f32 $1.000000000e+00;
	s7 =	sshrl.u32 s7, $0x7;
	s6 =	sadd.s32 $0x80, s4;
	s8 =	smax.u32 s8, $0x1  }
.LBB2_1:
0xc: {  	[tilespmem:s3], [sflag:$0x1] =	stream.strided.gather [hbm4b:s5+s9], $0x4000, s10, s9, $0x38;
	[tilespmem:$0x10800] =	vst v63  }
0xd: {  	s17 =	simm.s32 $0x0;
	s18 =	simm.s32 $0x200  }
.LBB2_2:
0xe: {  	p0 =	sne.s32 s18, $0x18E00;
	[tilespmem:s17+$0x4070] =	vst v0  }
0xf: {  	[tilespmem:s17+$0x4000] =	vst v0  }
0x10: {  	[tilespmem:s17+$0x4010] =	vst v0  }
.Ltmp0:
0x11: {  	[tilespmem:s17+$0x4020] =	vst v0;
	(pc) =	sbr.rel @p0 .LBB2_2-.Ltmp0, $4  }
0x12: {  	[tilespmem:s17+$0x4030] =	vst v0  }
0x13: {  	[tilespmem:s17+$0x4040] =	vst v0  }
0x14: {  	[tilespmem:s17+$0x4050] =	vst v0  }
0x15: {  	[tilespmem:s17+$0x4060] =	vst v0;
	s17 =	sshra.s32 s18, $0x2;
	s18 =	sadd.s32 $0x200, s18  }
0x16: {  	[tilespmem:s17+$0x4070] =	vst v0  }
0x17: {  	[tilespmem:s17+$0x4000] =	vst v0  }
0x18: {  	[tilespmem:s17+$0x4010] =	vst v0  }
0x19: {  	[tilespmem:s17+$0x4020] =	vst v0  }
0x1a: {  	[tilespmem:s17+$0x4030] =	vst v0  }
0x1b: {  	[tilespmem:s17+$0x4040] =	vst v0  }
0x1c: {  	[tilespmem:s17+$0x4050] =	vst v0  }
0x1d: {  	[tilespmem:s17+$0x4060] =	vst v0  }
0x1e: {  	_ =	swait.ge [sflag:s11], $0x4000  }
0x1f: {  	[sflag:s11] =	ssyncset.done $0x0  }
0x20: {  	s17 =	simm.s32 $0x0;
	s18 =	simm.s32 $0x80;
	[sflag:s11] =	ssyncadd.s32 $0xFFFFC000  }
.LBB2_4:
0x21: {  	v3 =	vld [tilespmem:s18+$0xFFFFFF80];
	_ =	sdelay $0x4  }
0x22: {  	v4 =	vor.u32 s17, v1;
	v3 =	vshll.u32 v3, $0x7  }
0x23: {  	v3 =	vadd.s32 v4, v3;
	_ =	sdelay $0x4  }
0x24: {  	[tilespmem:v3+s12+$0x0] =	vst.idx.msk $0xffff, v2  }
0x25: {  	v3 =	vld [tilespmem:s18+$0x0];
	_ =	sdelay $0x4  }
0x26: {  	v3 =	vshll.u32 v3, $0x7  }
0x27: {  	v3 =	vadd.s32 v4, v3  }
0x28: {  	p0 =	sne.s32 s17, $0x70;
	v3 =	vadd.s32 $0x3200, v3  }
.Ltmp1:
0x29: {  	_ = 	snop;
	(pc) =	sbr.rel @p0 .LBB2_4-.Ltmp1, $2  }
0x2a: {  	_ =	sdelay $0x2  }
0x2b: {  	s17 =	sadd.s32 $0x10, s17;
	s18 =	sadd.s32 $0x10, s18;
	[tilespmem:v3+s12+$0x0] =	vst.idx.msk $0xffff, v2  }
0x2c: {  	[hbm4b:s4+s13] =	stream.strided.scatter [tilespmem:s12], [sflag:$0x1], $0x6400, s10, s13, $0x38;
	[tilespmem:$0x10800] =	vst v63  }
0x2d: {  	s17 =	simm.s32 $0x0;
	s18 =	simm.s32 $0x0;
	s19 =	simm.s32 $0x200  }
.LBB2_6:
0x2e: {  	p0 =	sne.s32 s19, $0x18E00;
	[tilespmem:s18+$0xA470] =	vst v0  }
0x2f: {  	[tilespmem:s18+$0xA400] =	vst v0  }
0x30: {  	[tilespmem:s18+$0xA410] =	vst v0  }
.Ltmp2:
0x31: {  	[tilespmem:s18+$0xA420] =	vst v0;
	(pc) =	sbr.rel @p0 .LBB2_6-.Ltmp2, $4  }
0x32: {  	[tilespmem:s18+$0xA430] =	vst v0  }
0x33: {  	[tilespmem:s18+$0xA440] =	vst v0  }
0x34: {  	[tilespmem:s18+$0xA450] =	vst v0  }
0x35: {  	[tilespmem:s18+$0xA460] =	vst v0;
	s18 =	sshra.s32 s19, $0x2;
	s19 =	sadd.s32 $0x200, s19  }
0x36: {  	[tilespmem:s18+$0xA470] =	vst v0  }
0x37: {  	[tilespmem:s18+$0xA400] =	vst v0  }
0x38: {  	[tilespmem:s18+$0xA410] =	vst v0  }
0x39: {  	[tilespmem:s18+$0xA420] =	vst v0  }
0x3a: {  	[tilespmem:s18+$0xA430] =	vst v0  }
0x3b: {  	[tilespmem:s18+$0xA440] =	vst v0  }
0x3c: {  	[tilespmem:s18+$0xA450] =	vst v0  }
0x3d: {  	[tilespmem:s18+$0xA460] =	vst v0;
	s18 =	simm.s32 $0x480  }
.LBB2_8:
0x3e: {  	v3 =	vld [tilespmem:s18+$0xFFFFFF80];
	_ =	sdelay $0x4  }
0x3f: {  	v4 =	vor.u32 s17, v1;
	v3 =	vshll.u32 v3, $0x7  }
0x40: {  	v3 =	vadd.s32 v4, v3;
	_ =	sdelay $0x4  }
0x41: {  	[tilespmem:v3+s14+$0x0] =	vst.idx.msk $0xffff, v2  }
0x42: {  	v3 =	vld [tilespmem:s18+$0x0];
	_ =	sdelay $0x4  }
0x43: {  	v3 =	vshll.u32 v3, $0x7  }
0x44: {  	v3 =	vadd.s32 v4, v3  }
0x45: {  	p0 =	sne.s32 s17, $0x70;
	v3 =	vadd.s32 $0x3200, v3  }
.Ltmp3:
0x46: {  	_ = 	snop;
	(pc) =	sbr.rel @p0 .LBB2_8-.Ltmp3, $2  }
0x47: {  	_ =	sdelay $0x2  }
0x48: {  	s17 =	sadd.s32 $0x10, s17;
	s18 =	sadd.s32 $0x10, s18;
	[tilespmem:v3+s14+$0x0] =	vst.idx.msk $0xffff, v2  }
0x49: {  	[hbm4b:s6+s13] =	stream.strided.scatter [tilespmem:s14], [sflag:$0x2], $0x6400, s10, s13, $0x38;
	[tilespmem:$0x10800] =	vst v63  }
0x4a: {  	s17 =	simm.s32 $0x1;
	s18 =	simm.s32 $0x0  }
0x4b: {  	p0 =	por $0x0, $0x0;
	p1 =	por $0x1, $0x1;
	s19 =	simm.s32 $0x0  }
.LBB2_10:
0x4c: {  	s21 =	sshll.u32 s17, $0x1  }
0x4d: {  	s20 =	sadd.s32 $0xFFFFFFFE, s21  }
0x4e: {  	s22 =	sshll.u32 s17, $0xB;
	s23 =	simm.s32 $0x1;
	s20 =	sshrl.u32 s20, $0x1  }
0x4f: {  	p2 =	slt.u32 s17, $0x2;
	s23 =	simm.s32 @!p1 $0x0;
	s20 =	sand.u32 $0x1, s20  }
0x50: {  	s22 =	sand.u32 $0xFFFFC000, s22;
	s23 =	sshll.u32 s23, $0xD;
	p3 =	seq.s32 s20, $0x1  }
0x51: {  	s30 =	sshll.u32 s17, $0x9;
	s29 =	sor.u32 s23, s22;
	p2 =	por !p2, !p3  }
0x52: {  	s22 =	sand.u32 $0xC00, s30;
	s23 =	simm.s32 $0x1;
	p2 =	por !p2, !p2  }
0x53: {  	s20 =	sor.u32 s22, s29;
	s22 =	sshrl.u32 s19, $0x2;
	s23 =	simm.s32 @!p2 $0x0  }
0x54: {  	s24 =	simm.s32 $0x1;
	s28 =	sand.u32 $0x3, s18;
	s23 =	ssub.s32 s22, s23  }
0x55: {  	_ =	swait.ge [sflag:s11], $0x6400;
	s24 =	simm.s32 @!p0 $0x0;
	s26 =	sshll.u32 s23, $0xC  }
0x56: {  	s24 =	sshll.u32 s24, $0xD;
	s23 =	sand.u32 $0x3, s23;
	s26 =	sand.u32 $0xFFFFC000, s26  }
0x57: {  	[sflag:s11] =	ssyncset.done $0x0;
	s23 =	sshll.u32 s23, $0xA;
	s26 =	sor.u32 s24, s26  }
0x58: {  	[sflag:s11] =	ssyncadd.s32 $0xFFFF9C00;
	s25 =	sshrl.u32 s20, $0x2;
	s26 =	sor.u32 s23, s26  }
0x59: {  	s20 =	sor.u32 $0x480, s25;
	s24 =	sshll.u32 s28, $0xC;
	s31 =	sshra.s32 s26, $0x2  }
0x5a: {  	s23 =	sor.u32 $0x80, s25;
	s26 =	simm.s32 $0x0;
	s25 =	sor.u32 $0x80, s31  }
.LBB2_11:
0x5b: {  	v3 =	vld [tilespmem:s25+$0xFFFFFF80];
	_ =	sdelay $0x4  }
0x5c: {  	v4 =	vor.u32 s26, v1;
	v3 =	vshll.u32 v3, $0x7  }
0x5d: {  	v3 =	vadd.s32 v4, v3;
	_ =	sdelay $0x4  }
0x5e: {  	[tilespmem:v3+s12+$0x0] =	vst.idx.msk $0xffff, v0  }
0x5f: {  	v3 =	vld [tilespmem:s25+$0x0];
	_ =	sdelay $0x4  }
0x60: {  	v3 =	vshll.u32 v3, $0x7  }
0x61: {  	v3 =	vadd.s32 v4, v3  }
0x62: {  	p2 =	sne.s32 s26, $0x70;
	v3 =	vadd.s32 $0x3200, v3  }
.Ltmp4:
0x63: {  	_ = 	snop;
	(pc) =	sbr.rel @p2 .LBB2_11-.Ltmp4, $2  }
0x64: {  	_ =	sdelay $0x2  }
0x65: {  	s26 =	sadd.s32 $0x10, s26;
	s25 =	sadd.s32 $0x10, s25;
	[tilespmem:v3+s12+$0x0] =	vst.idx.msk $0xffff, v0  }
0x66: {  	s26 =	sshrl.u32 s17, $0x1;
	s25 =	sand.u32 $0x2, s21;
	s28 =	simm.s32 $0x0  }
.LBB2_13:
0x67: {  	v3 =	vld [tilespmem:s23+$0xFFFFFF80];
	_ =	sdelay $0x4  }
0x68: {  	v4 =	vor.u32 s28, v1;
	v3 =	vshll.u32 v3, $0x7  }
0x69: {  	v3 =	vadd.s32 v4, v3;
	_ =	sdelay $0x4  }
0x6a: {  	[tilespmem:v3+s12+$0x0] =	vst.idx.msk $0xffff, v2  }
0x6b: {  	v3 =	vld [tilespmem:s23+$0x0];
	_ =	sdelay $0x4  }
0x6c: {  	v3 =	vshll.u32 v3, $0x7  }
0x6d: {  	v3 =	vadd.s32 v4, v3  }
0x6e: {  	p2 =	sne.s32 s28, $0x70;
	v3 =	vadd.s32 $0x3200, v3  }
.Ltmp5:
0x6f: {  	_ = 	snop;
	(pc) =	sbr.rel @p2 .LBB2_13-.Ltmp5, $2  }
0x70: {  	_ =	sdelay $0x2  }
0x71: {  	s28 =	sadd.s32 $0x10, s28;
	s23 =	sadd.s32 $0x10, s23;
	[tilespmem:v3+s12+$0x0] =	vst.idx.msk $0xffff, v2  }
0x72: {  	s23 =	smul.u32 $0x320000, s26;
	s31 =	sor.u32 s7, s25;
	s21 =	sadd.s32 $0xFFFFFFFF, s21  }
0x73: {  	s26 =	sshll.u32 s31, $0xA;
	s21 =	sshra.s32 s21, $0x1F  }
0x74: {  	s26 =	sor.u32 s23, s26;
	s21 =	sadd.s32 s22, s21  }
0x75: {  	s26 =	sshrl.u32 s26, $0x3;
	s22 =	sshll.u32 s21, $0xC  }
0x76: {  	s21 =	sand.u32 $0x3, s21;
	s26 =	sadd.s32 s2, s26;
	s22 =	sand.u32 $0xFFFFC000, s22  }
0x77: {  	[hbm4b:s26+s13] =	stream.strided.scatter [tilespmem:s12], [sflag:$0x1], $0x6400, s10, s13, $0x38;
	[tilespmem:$0x10800] =	vst v63  }
0x78: {  	s21 =	sshll.u32 s21, $0xA;
	s22 =	sor.u32 s24, s22  }
0x79: {  	_ =	swait.ge [sflag:s15], $0x6400;
	s21 =	sadd.s32 s21, s22  }
0x7a: {  	[sflag:s15] =	ssyncset.done $0x0;
	s21 =	sshra.s32 s21, $0x2  }
0x7b: {  	s22 =	simm.s32 $0x0;
	[sflag:s15] =	ssyncadd.s32 $0xFFFF9C00;
	s21 =	sadd.s32 $0x480, s21  }
.LBB2_15:
0x7c: {  	v3 =	vld [tilespmem:s21+$0xFFFFFF80];
	_ =	sdelay $0x4  }
0x7d: {  	v4 =	vor.u32 s22, v1;
	v3 =	vshll.u32 v3, $0x7  }
0x7e: {  	v3 =	vadd.s32 v4, v3;
	_ =	sdelay $0x4  }
0x7f: {  	[tilespmem:v3+s14+$0x0] =	vst.idx.msk $0xffff, v0  }
0x80: {  	v3 =	vld [tilespmem:s21+$0x0];
	_ =	sdelay $0x4  }
0x81: {  	v3 =	vshll.u32 v3, $0x7  }
0x82: {  	v3 =	vadd.s32 v4, v3  }
0x83: {  	p2 =	sne.s32 s22, $0x70;
	v3 =	vadd.s32 $0x3200, v3  }
.Ltmp6:
0x84: {  	_ = 	snop;
	(pc) =	sbr.rel @p2 .LBB2_15-.Ltmp6, $2  }
0x85: {  	_ =	sdelay $0x2  }
0x86: {  	s22 =	sadd.s32 $0x10, s22;
	s21 =	sadd.s32 $0x10, s21;
	[tilespmem:v3+s14+$0x0] =	vst.idx.msk $0xffff, v0  }
0x87: {  	s21 =	sor.u32 $0x1, s25;
	s22 =	simm.s32 $0x0  }
.LBB2_17:
0x88: {  	v3 =	vld [tilespmem:s20+$0xFFFFFF80];
	_ =	sdelay $0x4  }
0x89: {  	v4 =	vor.u32 s22, v1;
	v3 =	vshll.u32 v3, $0x7  }
0x8a: {  	v3 =	vadd.s32 v4, v3;
	_ =	sdelay $0x4  }
0x8b: {  	[tilespmem:v3+s14+$0x0] =	vst.idx.msk $0xffff, v2  }
0x8c: {  	v3 =	vld [tilespmem:s20+$0x0];
	_ =	sdelay $0x4  }
0x8d: {  	v3 =	vshll.u32 v3, $0x7  }
0x8e: {  	v3 =	vadd.s32 v4, v3  }
0x8f: {  	p2 =	sne.s32 s22, $0x70;
	v3 =	vadd.s32 $0x3200, v3  }
.Ltmp7:
0x90: {  	_ = 	snop;
	(pc) =	sbr.rel @p2 .LBB2_17-.Ltmp7, $2  }
0x91: {  	_ =	sdelay $0x2  }
0x92: {  	s22 =	sadd.s32 $0x10, s22;
	s20 =	sadd.s32 $0x10, s20;
	[tilespmem:v3+s14+$0x0] =	vst.idx.msk $0xffff, v2  }
0x93: {  	s17 =	sadd.s32 $0x1, s17  }
0x94: {  	s20 =	sor.u32 s7, s21;
	p2 =	sne.s32 s17, $0x1A  }
.Ltmp8:
0x95: {  	s20 =	sshll.u32 s20, $0xA;
	(pc) =	sbr.rel @p2 .LBB2_10-.Ltmp8, $4  }
0x96: {  	s20 =	sor.u32 s23, s20  }
0x97: {  	s19 =	sadd.s32 $0x2, s19;
	p0 =	por !p0, !p0;
	s20 =	sshrl.u32 s20, $0x3  }
0x98: {  	p1 =	por !p1, !p1;
	s18 =	sadd.s32 $0x2, s18;
	s20 =	sadd.s32 s2, s20  }
0x99: {  	[hbm4b:s20+s13] =	stream.strided.scatter [tilespmem:s14], [sflag:$0x2], $0x6400, s10, s13, $0x38;
	[tilespmem:$0x10800] =	vst v63  }
0x9a: {  	s16 =	sadd.s32 $0x1, s16  }
0x9b: {  	_ =	swait.ge [sflag:s11], $0x6400;
	p0 =	sne.s32 s16, s8  }
.Ltmp9:
0x9c: {  	[sflag:s11] =	ssyncset.done $0x0;
	(pc) =	sbr.rel @p0 .LBB2_1-.Ltmp9, $4  }
0x9d: {  	[sflag:s11] =	ssyncadd.s32 $0xFFFF9C00  }
0x9e: {  	_ =	swait.ge [sflag:s15], $0x6400  }
0x9f: {  	[sflag:s15] =	ssyncset.done $0x0  }
0xa0: {  	[sflag:s15] =	ssyncadd.s32 $0xFFFF9C00  }
0xa1: {  	_ =	sfence.sel $0x180000  }
0xa2: {  	[bflag:$0x0] =	sbarrier.arrive $0xFFFF  }
0xa3: {  	p0 =	sne.s32 s1, $0x0;
	_ =	strace $0x90000047  }
0xa4: {  	s0 =	sadd.s32 @!p0 $0x100000, s0;
	[bflag:$0x2] =	sbarrier.arrive $0xFFFF  }
0xa5: {  	[sflag:s0] =	ssyncadd.tile.s32 @!p0 $0x1;
	_ =	shalt  }
.Lfunc_end2:
_tile_overlayer_lowered:
.L_overlay_start_2:
0xa6: {  	(tag) =	ssettag $0x2  }
0xa7: {  	s0 =	rddreg [dreg:$0x0];
	s2 =	stileid.u32  }
0xa8: {  	s1 =	rddreg [dreg:$0x1];
	p0 =	sne.s32 s2, $0x0  }
0xa9: {  	s3 =	rddreg [dreg:$0x2];
	[bflag:$0x3] =	sbarrier.arrive $0xFFFF;
	s2 =	simm.s32 @!p0 $0x1C03  }
0xaa: {  	[timem:s3], [sflag:s2] =	dma.local @!p0 [hbm:s0], s1  }
0xab: {  	s0 =	simm.s32 @!p0 $0x3  }
0xac: {  	_ =	swait.ge @!p0 [sflag:s0], s1  }
0xad: {  	s1 =	ssub.s32 @!p0 $0x0, s1;
	[sflag:s0] =	ssyncset.done @!p0 $0x0  }
0xae: {  	[sflag:s0] =	ssyncadd.s32 @!p0 s1  }
0xaf: {  	[bflag:$0x3] =	sbarrier.arrive $0xFFFF  }
0xb0: {  	_ =	shalt  }

</sc_bundles>
